<compile_context>
chip_gen: v7x
topology: tpu7x:2x2x1
jax: 0.10.2.dev20260603
libtpu: 0.0.44.dev20260713+nightly
codegen_flags: <defaults>
</compile_context>

<pallas_src>
import functools

import jax
import jax.numpy as jnp
from jax import lax
from jax.experimental import pallas as pl
from jax.experimental.pallas import tpu as pltpu
from jax.experimental.pallas import tpu_sc as plsc

B = 16384
EMB = 8
NFEAT = 6
V = 100001
VPAD = ((V + 15) // 16) * 16
XW = 128
IDX_CHUNK = 128
RB = 512


def _repack_kernel(*refs):
    in_refs, out_refs = refs[:NFEAT], refs[NFEAT:]
    for x_ref, o_ref in zip(in_refs, out_refs):
        x = x_ref[...]
        o_ref[...] = x.reshape(8, RB, 16).transpose(1, 2, 0).reshape(RB, 128)


def _repack_stage(tables):
    nrow = VPAD // 16
    grid = ((nrow + RB - 1) // RB,)
    t8s = [t.T for t in tables]
    out = pl.pallas_call(
        _repack_kernel,
        grid=grid,
        in_specs=[pl.BlockSpec((8, RB * 16), lambda i: (0, i))
                  for _ in range(NFEAT)],
        out_specs=[pl.BlockSpec((RB, 128), lambda i: (i, 0))
                   for _ in range(NFEAT)],
        out_shape=[jax.ShapeDtypeStruct((nrow, 128), jnp.float32)
                   for _ in range(NFEAT)],
    )(*t8s)
    return [p.reshape(VPAD, EMB) for p in out]


def _gather_stage(idx_all, tables):
    info = plsc.get_sparse_core_info()
    nw = info.num_cores * info.num_subcores
    bpw = B // nw
    nchunk = bpw // IDX_CHUNK
    mesh = plsc.VectorSubcoreMesh(core_axis_name="c", subcore_axis_name="s")

    @functools.partial(
        pl.kernel,
        out_type=jax.ShapeDtypeStruct((B, XW), jnp.float32),
        mesh=mesh,
        scratch_types=[
            pltpu.VMEM((NFEAT, bpw), jnp.int32),
            pltpu.VMEM((NFEAT, bpw, EMB), jnp.float32),
            pltpu.SemaphoreType.DMA,
        ],
        compiler_params=pltpu.CompilerParams(use_tc_tiling_on_sc=False),
    )
    def gather_kernel(idx_hbm, t0, t1, t2, t3, t4, t5, out_hbm,
                      idx_v, rows_v, sem):
        tabs = (t0, t1, t2, t3, t4, t5)
        wid = lax.axis_index("s") * info.num_cores + lax.axis_index("c")
        base = wid * bpw
        for f in range(NFEAT):
            pltpu.sync_copy(idx_hbm.at[f, pl.ds(base, bpw)], idx_v.at[f])
        copies = [
            pltpu.async_copy(
                tabs[f].at[idx_v.at[f, pl.ds(j * IDX_CHUNK, IDX_CHUNK)]],
                rows_v.at[f, pl.ds(j * IDX_CHUNK, IDX_CHUNK)],
                sem,
            )
            for f in range(NFEAT)
            for j in range(nchunk)
        ]
        for c in copies:
            c.wait()
        for f in range(NFEAT):
            pltpu.sync_copy(rows_v.at[f],
                            out_hbm.at[pl.ds(base, bpw), pl.ds(f * EMB, EMB)])

    return gather_kernel(idx_all, *tables)


def _mlp_kernel(x_ref, w0_ref, b0_ref, w1_ref, b1_ref, w2_ref, b2_ref,
                wo_ref, bo_ref, out_ref):
    x = x_ref[...][:, :NFEAT * EMB]
    h = jnp.maximum(jnp.dot(x, w0_ref[...],
                            preferred_element_type=jnp.float32)
                    + b0_ref[...], 0.0)
    h = jnp.maximum(jnp.dot(h, w1_ref[...],
                            preferred_element_type=jnp.float32)
                    + b1_ref[...], 0.0)
    h = jnp.maximum(jnp.dot(h, w2_ref[...],
                            preferred_element_type=jnp.float32)
                    + b2_ref[...], 0.0)
    out_ref[...] = (jnp.dot(h, wo_ref[...],
                            preferred_element_type=jnp.float32)
                    + bo_ref[...])


def _mlp_stage(xcat, W0, b0, W1, b1, W2, b2, Wout, bout):
    bt = 4096
    grid = (B // bt,)
    full2 = lambda shape: pl.BlockSpec(shape, lambda i: (0, 0))
    return pl.pallas_call(
        _mlp_kernel,
        grid=grid,
        in_specs=[
            pl.BlockSpec((bt, XW), lambda i: (i, 0)),
            full2(W0.shape), full2((1, 192)),
            full2(W1.shape), full2((1, 192)),
            full2(W2.shape), full2((1, 192)),
            full2(Wout.shape), full2((1, 1)),
        ],
        out_specs=pl.BlockSpec((bt, 1), lambda i: (i, 0)),
        out_shape=jax.ShapeDtypeStruct((B, 1), jnp.float32),
    )(xcat, W0, b0.reshape(1, 192), W1, b1.reshape(1, 192),
      W2, b2.reshape(1, 192), Wout, bout.reshape(1, 1))


def kernel(movie_id, user_id, user_gender, bucketized_user_age,
           user_zip_code, user_occupation_text,
           emb_movie_id, emb_user_id, emb_user_gender,
           emb_bucketized_user_age, emb_user_zip_code,
           emb_user_occupation_text,
           W0, b0, W1, b1, W2, b2, Wout, bout):
    idx_all = jnp.stack([
        movie_id, user_id, user_gender, bucketized_user_age,
        user_zip_code, user_occupation_text,
    ]).astype(jnp.int32)
    tables = (emb_movie_id, emb_user_id, emb_user_gender,
              emb_bucketized_user_age, emb_user_zip_code,
              emb_user_occupation_text)
    packed = _repack_stage(tables)
    xcat = _gather_stage(idx_all, packed)
    return _mlp_stage(xcat, W0, b0, W1, b1, W2, b2, Wout, bout)

# --- scband reference (transcript-rebuilt; emitter-appended) ---
"""Pipeline reference for scband-dcn-71468255805465 (READ-ONLY COPY).

The authoritative reference and input builder live on the scoring server;
editing this copy changes nothing except your own understanding.
"""

import jax, jax.numpy as jnp
import numpy as np

VOCAB = 100000
EMB = 8
B = 16384
UNITS = [192, 192, 192]
FEATURES = ["movie_id", "user_id", "user_gender", "bucketized_user_age", "user_zip_code", "user_occupation_text"]


def setup_inputs(seed: int = 0) -> dict:
    key = jax.random.key(seed)
    inp = {}
    # index inputs (one per feature)
    for i, name in enumerate(FEATURES):
        inp[name] = jax.random.randint(jax.random.fold_in(key, i), (B,), 0, VOCAB)
    # embedding tables: input_dim = vocab_size + 1 per the keras code
    for i, name in enumerate(FEATURES):
        inp["emb_" + name] = jax.random.normal(jax.random.fold_in(key, 100 + i), (VOCAB + 1, EMB), dtype=jnp.float32) * 0.05
    # dense MLP weights
    in_dim = EMB * len(FEATURES)
    dims = [in_dim] + UNITS
    for j in range(len(UNITS)):
        fan_in = dims[j]
        inp[f"W{j}"] = jax.random.normal(jax.random.fold_in(key, 200 + j), (fan_in, dims[j + 1]), dtype=jnp.float32) * (1.0 / np.sqrt(fan_in))
        inp[f"b{j}"] = jnp.zeros((dims[j + 1],), dtype=jnp.float32)
    inp["Wout"] = jax.random.normal(jax.random.fold_in(key, 300), (UNITS[-1], 1), dtype=jnp.float32) * (1.0 / np.sqrt(UNITS[-1]))
    inp["bout"] = jnp.zeros((1,), dtype=jnp.float32)
    return inp


def reference(movie_id, user_id, user_gender, bucketized_user_age, user_zip_code, user_occupation_text,
              emb_movie_id, emb_user_id, emb_user_gender, emb_bucketized_user_age, emb_user_zip_code, emb_user_occupation_text,
              W0, b0, W1, b1, W2, b2, Wout, bout):
    # embedding lookups (keras.layers.Embedding == table[idx])
    embeddings = [
        jnp.take(emb_movie_id, movie_id, axis=0),
        jnp.take(emb_user_id, user_id, axis=0),
        jnp.take(emb_user_gender, user_gender, axis=0),
        jnp.take(emb_bucketized_user_age, bucketized_user_age, axis=0),
        jnp.take(emb_user_zip_code, user_zip_code, axis=0),
        jnp.take(emb_user_occupation_text, user_occupation_text, axis=0),
    ]
    x = jnp.concatenate(embeddings, axis=1)
    # use_cross_layer=False -> deep net only
    for W, b in ((W0, b0), (W1, b1), (W2, b2)):
        x = jax.nn.relu(x @ W + b)
    x = x @ Wout + bout
    return x

if __name__ == "__main__":
    import jax
    _d = setup_inputs()
    print(jax.jit(kernel)(*tuple(_d.values())))

</pallas_src>

<mosaic_0001>
#map = affine_map<(d0, d1) -> (0, 0)>
module attributes {stable_mosaic.version = 14 : i64} {
  func.func @gather_kernel(%arg0: i32, %arg1: i32, %arg2: memref<6x16384xi32, #tpu.memory_space<hbm>>, %arg3: memref<100016x8xf32, #tpu.memory_space<hbm>>, %arg4: memref<100016x8xf32, #tpu.memory_space<hbm>>, %arg5: memref<100016x8xf32, #tpu.memory_space<hbm>>, %arg6: memref<100016x8xf32, #tpu.memory_space<hbm>>, %arg7: memref<100016x8xf32, #tpu.memory_space<hbm>>, %arg8: memref<100016x8xf32, #tpu.memory_space<hbm>>, %arg9: memref<16384x128xf32, #tpu.memory_space<hbm>>, %arg10: memref<6x512xi32, #tpu.memory_space<vmem>>, %arg11: memref<6x512x8xf32, #tpu.memory_space<vmem>>, %arg12: memref<!tpu.dma_semaphore, #tpu.memory_space<semaphore_mem>>) attributes {dimension_semantics = [#tpu.dimension_semantics<core_parallel>, #tpu.dimension_semantics<subcore_parallel>], iteration_bounds = array<i64: 2, 16>, scalar_prefetch = 0 : i64, scratch_operands = 3 : i64, tpu.core_type = #tpu.core_type<sc_vector_subcore>, window_params = [{transform_indices = #map}, {transform_indices = #map}, {transform_indices = #map}, {transform_indices = #map}, {transform_indices = #map}, {transform_indices = #map}, {transform_indices = #map}, {transform_indices = #map}]} {
    %mul3A = arith.constant 2 : i32
    %mul3A_0 = arith.muli %arg1, %mul3A : i32
    %add3A = arith.addi %mul3A_0, %arg0 : i32
    %mul3A_1 = arith.constant 512 : i32
    %mul3A_2 = arith.muli %add3A, %mul3A_1 : i32
    %run_scoped3A = arith.constant 0 : i32
    %run_scoped3A_3 = arith.constant 0 : i32
    "tpu.region"() ({
      %run_scoped3A_594 = tpu.sem_alloc : memref<!tpu.dma_semaphore, #tpu.memory_space<semaphore_mem>>
      %dma_start3A_595 = arith.constant 0 : i32
      %dma_start3A_596 = tpu.memref_slice %arg10[%run_scoped3A_3, %dma_start3A_595] : memref<6x512xi32, #tpu.memory_space<vmem>> -> memref<1x512xi32, #tpu.memory_space<vmem>>
      %dma_start3A_597 = tpu.memref_squeeze %dma_start3A_596 : memref<1x512xi32, #tpu.memory_space<vmem>> -> memref<512xi32, #tpu.memory_space<vmem>>
      %dma_start3A_598 = tpu.memref_slice %arg2[%run_scoped3A, %mul3A_2] : memref<6x16384xi32, #tpu.memory_space<hbm>> -> memref<1x512xi32, #tpu.memory_space<hbm>>
      %dma_start3A_599 = tpu.memref_squeeze %dma_start3A_598 : memref<1x512xi32, #tpu.memory_space<hbm>> -> memref<512xi32, #tpu.memory_space<hbm>>
      %dma_start3A_600 = arith.constant 0 : i32
      %dma_start3A_601 = tpu.memref_slice %arg10[%run_scoped3A_3, %dma_start3A_600] : memref<6x512xi32, #tpu.memory_space<vmem>> -> memref<1x512xi32, #tpu.memory_space<vmem>>
      %dma_start3A_602 = tpu.memref_squeeze %dma_start3A_601 : memref<1x512xi32, #tpu.memory_space<vmem>> -> memref<512xi32, #tpu.memory_space<vmem>>
      %dma_start3A_603 = tpu.memref_slice %arg2[%run_scoped3A, %mul3A_2] : memref<6x16384xi32, #tpu.memory_space<hbm>> -> memref<1x512xi32, #tpu.memory_space<hbm>>
      %dma_start3A_604 = tpu.memref_squeeze %dma_start3A_603 : memref<1x512xi32, #tpu.memory_space<hbm>> -> memref<512xi32, #tpu.memory_space<hbm>>
      tpu.enqueue_dma source(%dma_start3A_604 : memref<512xi32, #tpu.memory_space<hbm>>) target(%dma_start3A_602 : memref<512xi32, #tpu.memory_space<vmem>>) target_semaphore(%run_scoped3A_594 : memref<!tpu.dma_semaphore, #tpu.memory_space<semaphore_mem>>)
      %dma_wait3A_605 = arith.constant 0 : i32
      %dma_wait3A_606 = tpu.memref_slice %arg10[%run_scoped3A_3, %dma_wait3A_605] : memref<6x512xi32, #tpu.memory_space<vmem>> -> memref<1x512xi32, #tpu.memory_space<vmem>>
      %dma_wait3A_607 = tpu.memref_squeeze %dma_wait3A_606 : memref<1x512xi32, #tpu.memory_space<vmem>> -> memref<512xi32, #tpu.memory_space<vmem>>
      %dma_wait3A_608 = tpu.memref_slice %arg2[%run_scoped3A, %mul3A_2] : memref<6x16384xi32, #tpu.memory_space<hbm>> -> memref<1x512xi32, #tpu.memory_space<hbm>>
      %dma_wait3A_609 = tpu.memref_squeeze %dma_wait3A_608 : memref<1x512xi32, #tpu.memory_space<hbm>> -> memref<512xi32, #tpu.memory_space<hbm>>
      %dma_wait3A_610 = arith.constant 0 : i32
      %dma_wait3A_611 = tpu.memref_slice %arg10[%run_scoped3A_3, %dma_wait3A_610] : memref<6x512xi32, #tpu.memory_space<vmem>> -> memref<1x512xi32, #tpu.memory_space<vmem>>
      %dma_wait3A_612 = tpu.memref_squeeze %dma_wait3A_611 : memref<1x512xi32, #tpu.memory_space<vmem>> -> memref<512xi32, #tpu.memory_space<vmem>>
      %dma_wait3A_613 = tpu.memref_slice %arg2[%run_scoped3A, %mul3A_2] : memref<6x16384xi32, #tpu.memory_space<hbm>> -> memref<1x512xi32, #tpu.memory_space<hbm>>
      %dma_wait3A_614 = tpu.memref_squeeze %dma_wait3A_613 : memref<1x512xi32, #tpu.memory_space<hbm>> -> memref<512xi32, #tpu.memory_space<hbm>>
      tpu.wait_dma2 semaphore(%run_scoped3A_594 : memref<!tpu.dma_semaphore, #tpu.memory_space<semaphore_mem>>) src(%dma_wait3A_614 : memref<512xi32, #tpu.memory_space<hbm>>) dst(%dma_wait3A_612 : memref<512xi32, #tpu.memory_space<vmem>>)
      tpu.yield
    }) : () -> ()
    %run_scoped3A_4 = arith.constant 1 : i32
    %run_scoped3A_5 = arith.constant 1 : i32
    "tpu.region"() ({
      %run_scoped3A_594 = tpu.sem_alloc : memref<!tpu.dma_semaphore, #tpu.memory_space<semaphore_mem>>
      %dma_start3A_595 = arith.constant 0 : i32
      %dma_start3A_596 = tpu.memref_slice %arg10[%run_scoped3A_5, %dma_start3A_595] : memref<6x512xi32, #tpu.memory_space<vmem>> -> memref<1x512xi32, #tpu.memory_space<vmem>>
      %dma_start3A_597 = tpu.memref_squeeze %dma_start3A_596 : memref<1x512xi32, #tpu.memory_space<vmem>> -> memref<512xi32, #tpu.memory_space<vmem>>
      %dma_start3A_598 = tpu.memref_slice %arg2[%run_scoped3A_4, %mul3A_2] : memref<6x16384xi32, #tpu.memory_space<hbm>> -> memref<1x512xi32, #tpu.memory_space<hbm>>
      %dma_start3A_599 = tpu.memref_squeeze %dma_start3A_598 : memref<1x512xi32, #tpu.memory_space<hbm>> -> memref<512xi32, #tpu.memory_space<hbm>>
      %dma_start3A_600 = arith.constant 0 : i32
      %dma_start3A_601 = tpu.memref_slice %arg10[%run_scoped3A_5, %dma_start3A_600] : memref<6x512xi32, #tpu.memory_space<vmem>> -> memref<1x512xi32, #tpu.memory_space<vmem>>
      %dma_start3A_602 = tpu.memref_squeeze %dma_start3A_601 : memref<1x512xi32, #tpu.memory_space<vmem>> -> memref<512xi32, #tpu.memory_space<vmem>>
      %dma_start3A_603 = tpu.memref_slice %arg2[%run_scoped3A_4, %mul3A_2] : memref<6x16384xi32, #tpu.memory_space<hbm>> -> memref<1x512xi32, #tpu.memory_space<hbm>>
      %dma_start3A_604 = tpu.memref_squeeze %dma_start3A_603 : memref<1x512xi32, #tpu.memory_space<hbm>> -> memref<512xi32, #tpu.memory_space<hbm>>
      tpu.enqueue_dma source(%dma_start3A_604 : memref<512xi32, #tpu.memory_space<hbm>>) target(%dma_start3A_602 : memref<512xi32, #tpu.memory_space<vmem>>) target_semaphore(%run_scoped3A_594 : memref<!tpu.dma_semaphore, #tpu.memory_space<semaphore_mem>>)
      %dma_wait3A_605 = arith.constant 0 : i32
      %dma_wait3A_606 = tpu.memref_slice %arg10[%run_scoped3A_5, %dma_wait3A_605] : memref<6x512xi32, #tpu.memory_space<vmem>> -> memref<1x512xi32, #tpu.memory_space<vmem>>
      %dma_wait3A_607 = tpu.memref_squeeze %dma_wait3A_606 : memref<1x512xi32, #tpu.memory_space<vmem>> -> memref<512xi32, #tpu.memory_space<vmem>>
      %dma_wait3A_608 = tpu.memref_slice %arg2[%run_scoped3A_4, %mul3A_2] : memref<6x16384xi32, #tpu.memory_space<hbm>> -> memref<1x512xi32, #tpu.memory_space<hbm>>
      %dma_wait3A_609 = tpu.memref_squeeze %dma_wait3A_608 : memref<1x512xi32, #tpu.memory_space<hbm>> -> memref<512xi32, #tpu.memory_space<hbm>>
      %dma_wait3A_610 = arith.constant 0 : i32
      %dma_wait3A_611 = tpu.memref_slice %arg10[%run_scoped3A_5, %dma_wait3A_610] : memref<6x512xi32, #tpu.memory_space<vmem>> -> memref<1x512xi32, #tpu.memory_space<vmem>>
      %dma_wait3A_612 = tpu.memref_squeeze %dma_wait3A_611 : memref<1x512xi32, #tpu.memory_space<vmem>> -> memref<512xi32, #tpu.memory_space<vmem>>
      %dma_wait3A_613 = tpu.memref_slice %arg2[%run_scoped3A_4, %mul3A_2] : memref<6x16384xi32, #tpu.memory_space<hbm>> -> memref<1x512xi32, #tpu.memory_space<hbm>>
      %dma_wait3A_614 = tpu.memref_squeeze %dma_wait3A_613 : memref<1x512xi32, #tpu.memory_space<hbm>> -> memref<512xi32, #tpu.memory_space<hbm>>
      tpu.wait_dma2 semaphore(%run_scoped3A_594 : memref<!tpu.dma_semaphore, #tpu.memory_space<semaphore_mem>>) src(%dma_wait3A_614 : memref<512xi32, #tpu.memory_space<hbm>>) dst(%dma_wait3A_612 : memref<512xi32, #tpu.memory_space<vmem>>)
      tpu.yield
    }) : () -> ()
    %run_scoped3A_6 = arith.constant 2 : i32
    %run_scoped3A_7 = arith.constant 2 : i32
    "tpu.region"() ({
      %run_scoped3A_594 = tpu.sem_alloc : memref<!tpu.dma_semaphore, #tpu.memory_space<semaphore_mem>>
      %dma_start3A_595 = arith.constant 0 : i32
      %dma_start3A_596 = tpu.memref_slice %arg10[%run_scoped3A_7, %dma_start3A_595] : memref<6x512xi32, #tpu.memory_space<vmem>> -> memref<1x512xi32, #tpu.memory_space<vmem>>
      %dma_start3A_597 = tpu.memref_squeeze %dma_start3A_596 : memref<1x512xi32, #tpu.memory_space<vmem>> -> memref<512xi32, #tpu.memory_space<vmem>>
      %dma_start3A_598 = tpu.memref_slice %arg2[%run_scoped3A_6, %mul3A_2] : memref<6x16384xi32, #tpu.memory_space<hbm>> -> memref<1x512xi32, #tpu.memory_space<hbm>>
      %dma_start3A_599 = tpu.memref_squeeze %dma_start3A_598 : memref<1x512xi32, #tpu.memory_space<hbm>> -> memref<512xi32, #tpu.memory_space<hbm>>
      %dma_start3A_600 = arith.constant 0 : i32
      %dma_start3A_601 = tpu.memref_slice %arg10[%run_scoped3A_7, %dma_start3A_600] : memref<6x512xi32, #tpu.memory_space<vmem>> -> memref<1x512xi32, #tpu.memory_space<vmem>>
      %dma_start3A_602 = tpu.memref_squeeze %dma_start3A_601 : memref<1x512xi32, #tpu.memory_space<vmem>> -> memref<512xi32, #tpu.memory_space<vmem>>
      %dma_start3A_603 = tpu.memref_slice %arg2[%run_scoped3A_6, %mul3A_2] : memref<6x16384xi32, #tpu.memory_space<hbm>> -> memref<1x512xi32, #tpu.memory_space<hbm>>
      %dma_start3A_604 = tpu.memref_squeeze %dma_start3A_603 : memref<1x512xi32, #tpu.memory_space<hbm>> -> memref<512xi32, #tpu.memory_space<hbm>>
      tpu.enqueue_dma source(%dma_start3A_604 : memref<512xi32, #tpu.memory_space<hbm>>) target(%dma_start3A_602 : memref<512xi32, #tpu.memory_space<vmem>>) target_semaphore(%run_scoped3A_594 : memref<!tpu.dma_semaphore, #tpu.memory_space<semaphore_mem>>)
      %dma_wait3A_605 = arith.constant 0 : i32
      %dma_wait3A_606 = tpu.memref_slice %arg10[%run_scoped3A_7, %dma_wait3A_605] : memref<6x512xi32, #tpu.memory_space<vmem>> -> memref<1x512xi32, #tpu.memory_space<vmem>>
      %dma_wait3A_607 = tpu.memref_squeeze %dma_wait3A_606 : memref<1x512xi32, #tpu.memory_space<vmem>> -> memref<512xi32, #tpu.memory_space<vmem>>
      %dma_wait3A_608 = tpu.memref_slice %arg2[%run_scoped3A_6, %mul3A_2] : memref<6x16384xi32, #tpu.memory_space<hbm>> -> memref<1x512xi32, #tpu.memory_space<hbm>>
      %dma_wait3A_609 = tpu.memref_squeeze %dma_wait3A_608 : memref<1x512xi32, #tpu.memory_space<hbm>> -> memref<512xi32, #tpu.memory_space<hbm>>
      %dma_wait3A_610 = arith.constant 0 : i32
      %dma_wait3A_611 = tpu.memref_slice %arg10[%run_scoped3A_7, %dma_wait3A_610] : memref<6x512xi32, #tpu.memory_space<vmem>> -> memref<1x512xi32, #tpu.memory_space<vmem>>
      %dma_wait3A_612 = tpu.memref_squeeze %dma_wait3A_611 : memref<1x512xi32, #tpu.memory_space<vmem>> -> memref<512xi32, #tpu.memory_space<vmem>>
      %dma_wait3A_613 = tpu.memref_slice %arg2[%run_scoped3A_6, %mul3A_2] : memref<6x16384xi32, #tpu.memory_space<hbm>> -> memref<1x512xi32, #tpu.memory_space<hbm>>
      %dma_wait3A_614 = tpu.memref_squeeze %dma_wait3A_613 : memref<1x512xi32, #tpu.memory_space<hbm>> -> memref<512xi32, #tpu.memory_space<hbm>>
      tpu.wait_dma2 semaphore(%run_scoped3A_594 : memref<!tpu.dma_semaphore, #tpu.memory_space<semaphore_mem>>) src(%dma_wait3A_614 : memref<512xi32, #tpu.memory_space<hbm>>) dst(%dma_wait3A_612 : memref<512xi32, #tpu.memory_space<vmem>>)
      tpu.yield
    }) : () -> ()
    %run_scoped3A_8 = arith.constant 3 : i32
    %run_scoped3A_9 = arith.constant 3 : i32
    "tpu.region"() ({
      %run_scoped3A_594 = tpu.sem_alloc : memref<!tpu.dma_semaphore, #tpu.memory_space<semaphore_mem>>
      %dma_start3A_595 = arith.constant 0 : i32
      %dma_start3A_596 = tpu.memref_slice %arg10[%run_scoped3A_9, %dma_start3A_595] : memref<6x512xi32, #tpu.memory_space<vmem>> -> memref<1x512xi32, #tpu.memory_space<vmem>>
      %dma_start3A_597 = tpu.memref_squeeze %dma_start3A_596 : memref<1x512xi32, #tpu.memory_space<vmem>> -> memref<512xi32, #tpu.memory_space<vmem>>
      %dma_start3A_598 = tpu.memref_slice %arg2[%run_scoped3A_8, %mul3A_2] : memref<6x16384xi32, #tpu.memory_space<hbm>> -> memref<1x512xi32, #tpu.memory_space<hbm>>
      %dma_start3A_599 = tpu.memref_squeeze %dma_start3A_598 : memref<1x512xi32, #tpu.memory_space<hbm>> -> memref<512xi32, #tpu.memory_space<hbm>>
      %dma_start3A_600 = arith.constant 0 : i32
      %dma_start3A_601 = tpu.memref_slice %arg10[%run_scoped3A_9, %dma_start3A_600] : memref<6x512xi32, #tpu.memory_space<vmem>> -> memref<1x512xi32, #tpu.memory_space<vmem>>
      %dma_start3A_602 = tpu.memref_squeeze %dma_start3A_601 : memref<1x512xi32, #tpu.memory_space<vmem>> -> memref<512xi32, #tpu.memory_space<vmem>>
      %dma_start3A_603 = tpu.memref_slice %arg2[%run_scoped3A_8, %mul3A_2] : memref<6x16384xi32, #tpu.memory_space<hbm>> -> memref<1x512xi32, #tpu.memory_space<hbm>>
      %dma_start3A_604 = tpu.memref_squeeze %dma_start3A_603 : memref<1x512xi32, #tpu.memory_space<hbm>> -> memref<512xi32, #tpu.memory_space<hbm>>
      tpu.enqueue_dma source(%dma_start3A_604 : memref<512xi32, #tpu.memory_space<hbm>>) target(%dma_start3A_602 : memref<512xi32, #tpu.memory_space<vmem>>) target_semaphore(%run_scoped3A_594 : memref<!tpu.dma_semaphore, #tpu.memory_space<semaphore_mem>>)
      %dma_wait3A_605 = arith.constant 0 : i32
      %dma_wait3A_606 = tpu.memref_slice %arg10[%run_scoped3A_9, %dma_wait3A_605] : memref<6x512xi32, #tpu.memory_space<vmem>> -> memref<1x512xi32, #tpu.memory_space<vmem>>
      %dma_wait3A_607 = tpu.memref_squeeze %dma_wait3A_606 : memref<1x512xi32, #tpu.memory_space<vmem>> -> memref<512xi32, #tpu.memory_space<vmem>>
      %dma_wait3A_608 = tpu.memref_slice %arg2[%run_scoped3A_8, %mul3A_2] : memref<6x16384xi32, #tpu.memory_space<hbm>> -> memref<1x512xi32, #tpu.memory_space<hbm>>
      %dma_wait3A_609 = tpu.memref_squeeze %dma_wait3A_608 : memref<1x512xi32, #tpu.memory_space<hbm>> -> memref<512xi32, #tpu.memory_space<hbm>>
      %dma_wait3A_610 = arith.constant 0 : i32
      %dma_wait3A_611 = tpu.memref_slice %arg10[%run_scoped3A_9, %dma_wait3A_610] : memref<6x512xi32, #tpu.memory_space<vmem>> -> memref<1x512xi32, #tpu.memory_space<vmem>>
      %dma_wait3A_612 = tpu.memref_squeeze %dma_wait3A_611 : memref<1x512xi32, #tpu.memory_space<vmem>> -> memref<512xi32, #tpu.memory_space<vmem>>
      %dma_wait3A_613 = tpu.memref_slice %arg2[%run_scoped3A_8, %mul3A_2] : memref<6x16384xi32, #tpu.memory_space<hbm>> -> memref<1x512xi32, #tpu.memory_space<hbm>>
      %dma_wait3A_614 = tpu.memref_squeeze %dma_wait3A_613 : memref<1x512xi32, #tpu.memory_space<hbm>> -> memref<512xi32, #tpu.memory_space<hbm>>
      tpu.wait_dma2 semaphore(%run_scoped3A_594 : memref<!tpu.dma_semaphore, #tpu.memory_space<semaphore_mem>>) src(%dma_wait3A_614 : memref<512xi32, #tpu.memory_space<hbm>>) dst(%dma_wait3A_612 : memref<512xi32, #tpu.memory_space<vmem>>)
      tpu.yield
    }) : () -> ()
    %run_scoped3A_10 = arith.constant 4 : i32
    %run_scoped3A_11 = arith.constant 4 : i32
    "tpu.region"() ({
      %run_scoped3A_594 = tpu.sem_alloc : memref<!tpu.dma_semaphore, #tpu.memory_space<semaphore_mem>>
      %dma_start3A_595 = arith.constant 0 : i32
      %dma_start3A_596 = tpu.memref_slice %arg10[%run_scoped3A_11, %dma_start3A_595] : memref<6x512xi32, #tpu.memory_space<vmem>> -> memref<1x512xi32, #tpu.memory_space<vmem>>
      %dma_start3A_597 = tpu.memref_squeeze %dma_start3A_596 : memref<1x512xi32, #tpu.memory_space<vmem>> -> memref<512xi32, #tpu.memory_space<vmem>>
      %dma_start3A_598 = tpu.memref_slice %arg2[%run_scoped3A_10, %mul3A_2] : memref<6x16384xi32, #tpu.memory_space<hbm>> -> memref<1x512xi32, #tpu.memory_space<hbm>>
      %dma_start3A_599 = tpu.memref_squeeze %dma_start3A_598 : memref<1x512xi32, #tpu.memory_space<hbm>> -> memref<512xi32, #tpu.memory_space<hbm>>
      %dma_start3A_600 = arith.constant 0 : i32
      %dma_start3A_601 = tpu.memref_slice %arg10[%run_scoped3A_11, %dma_start3A_600] : memref<6x512xi32, #tpu.memory_space<vmem>> -> memref<1x512xi32, #tpu.memory_space<vmem>>
      %dma_start3A_602 = tpu.memref_squeeze %dma_start3A_601 : memref<1x512xi32, #tpu.memory_space<vmem>> -> memref<512xi32, #tpu.memory_space<vmem>>
      %dma_start3A_603 = tpu.memref_slice %arg2[%run_scoped3A_10, %mul3A_2] : memref<6x16384xi32, #tpu.memory_space<hbm>> -> memref<1x512xi32, #tpu.memory_space<hbm>>
      %dma_start3A_604 = tpu.memref_squeeze %dma_start3A_603 : memref<1x512xi32, #tpu.memory_space<hbm>> -> memref<512xi32, #tpu.memory_space<hbm>>
      tpu.enqueue_dma source(%dma_start3A_604 : memref<512xi32, #tpu.memory_space<hbm>>) target(%dma_start3A_602 : memref<512xi32, #tpu.memory_space<vmem>>) target_semaphore(%run_scoped3A_594 : memref<!tpu.dma_semaphore, #tpu.memory_space<semaphore_mem>>)
      %dma_wait3A_605 = arith.constant 0 : i32
      %dma_wait3A_606 = tpu.memref_slice %arg10[%run_scoped3A_11, %dma_wait3A_605] : memref<6x512xi32, #tpu.memory_space<vmem>> -> memref<1x512xi32, #tpu.memory_space<vmem>>
      %dma_wait3A_607 = tpu.memref_squeeze %dma_wait3A_606 : memref<1x512xi32, #tpu.memory_space<vmem>> -> memref<512xi32, #tpu.memory_space<vmem>>
      %dma_wait3A_608 = tpu.memref_slice %arg2[%run_scoped3A_10, %mul3A_2] : memref<6x16384xi32, #tpu.memory_space<hbm>> -> memref<1x512xi32, #tpu.memory_space<hbm>>
      %dma_wait3A_609 = tpu.memref_squeeze %dma_wait3A_608 : memref<1x512xi32, #tpu.memory_space<hbm>> -> memref<512xi32, #tpu.memory_space<hbm>>
      %dma_wait3A_610 = arith.constant 0 : i32
      %dma_wait3A_611 = tpu.memref_slice %arg10[%run_scoped3A_11, %dma_wait3A_610] : memref<6x512xi32, #tpu.memory_space<vmem>> -> memref<1x512xi32, #tpu.memory_space<vmem>>
      %dma_wait3A_612 = tpu.memref_squeeze %dma_wait3A_611 : memref<1x512xi32, #tpu.memory_space<vmem>> -> memref<512xi32, #tpu.memory_space<vmem>>
      %dma_wait3A_613 = tpu.memref_slice %arg2[%run_scoped3A_10, %mul3A_2] : memref<6x16384xi32, #tpu.memory_space<hbm>> -> memref<1x512xi32, #tpu.memory_space<hbm>>
      %dma_wait3A_614 = tpu.memref_squeeze %dma_wait3A_613 : memref<1x512xi32, #tpu.memory_space<hbm>> -> memref<512xi32, #tpu.memory_space<hbm>>
      tpu.wait_dma2 semaphore(%run_scoped3A_594 : memref<!tpu.dma_semaphore, #tpu.memory_space<semaphore_mem>>) src(%dma_wait3A_614 : memref<512xi32, #tpu.memory_space<hbm>>) dst(%dma_wait3A_612 : memref<512xi32, #tpu.memory_space<vmem>>)
      tpu.yield
    }) : () -> ()
    %run_scoped3A_12 = arith.constant 5 : i32
    %run_scoped3A_13 = arith.constant 5 : i32
    "tpu.region"() ({
      %run_scoped3A_594 = tpu.sem_alloc : memref<!tpu.dma_semaphore, #tpu.memory_space<semaphore_mem>>
      %dma_start3A_595 = arith.constant 0 : i32
      %dma_start3A_596 = tpu.memref_slice %arg10[%run_scoped3A_13, %dma_start3A_595] : memref<6x512xi32, #tpu.memory_space<vmem>> -> memref<1x512xi32, #tpu.memory_space<vmem>>
      %dma_start3A_597 = tpu.memref_squeeze %dma_start3A_596 : memref<1x512xi32, #tpu.memory_space<vmem>> -> memref<512xi32, #tpu.memory_space<vmem>>
      %dma_start3A_598 = tpu.memref_slice %arg2[%run_scoped3A_12, %mul3A_2] : memref<6x16384xi32, #tpu.memory_space<hbm>> -> memref<1x512xi32, #tpu.memory_space<hbm>>
      %dma_start3A_599 = tpu.memref_squeeze %dma_start3A_598 : memref<1x512xi32, #tpu.memory_space<hbm>> -> memref<512xi32, #tpu.memory_space<hbm>>
      %dma_start3A_600 = arith.constant 0 : i32
      %dma_start3A_601 = tpu.memref_slice %arg10[%run_scoped3A_13, %dma_start3A_600] : memref<6x512xi32, #tpu.memory_space<vmem>> -> memref<1x512xi32, #tpu.memory_space<vmem>>
      %dma_start3A_602 = tpu.memref_squeeze %dma_start3A_601 : memref<1x512xi32, #tpu.memory_space<vmem>> -> memref<512xi32, #tpu.memory_space<vmem>>
      %dma_start3A_603 = tpu.memref_slice %arg2[%run_scoped3A_12, %mul3A_2] : memref<6x16384xi32, #tpu.memory_space<hbm>> -> memref<1x512xi32, #tpu.memory_space<hbm>>
      %dma_start3A_604 = tpu.memref_squeeze %dma_start3A_603 : memref<1x512xi32, #tpu.memory_space<hbm>> -> memref<512xi32, #tpu.memory_space<hbm>>
      tpu.enqueue_dma source(%dma_start3A_604 : memref<512xi32, #tpu.memory_space<hbm>>) target(%dma_start3A_602 : memref<512xi32, #tpu.memory_space<vmem>>) target_semaphore(%run_scoped3A_594 : memref<!tpu.dma_semaphore, #tpu.memory_space<semaphore_mem>>)
      %dma_wait3A_605 = arith.constant 0 : i32
      %dma_wait3A_606 = tpu.memref_slice %arg10[%run_scoped3A_13, %dma_wait3A_605] : memref<6x512xi32, #tpu.memory_space<vmem>> -> memref<1x512xi32, #tpu.memory_space<vmem>>
      %dma_wait3A_607 = tpu.memref_squeeze %dma_wait3A_606 : memref<1x512xi32, #tpu.memory_space<vmem>> -> memref<512xi32, #tpu.memory_space<vmem>>
      %dma_wait3A_608 = tpu.memref_slice %arg2[%run_scoped3A_12, %mul3A_2] : memref<6x16384xi32, #tpu.memory_space<hbm>> -> memref<1x512xi32, #tpu.memory_space<hbm>>
      %dma_wait3A_609 = tpu.memref_squeeze %dma_wait3A_608 : memref<1x512xi32, #tpu.memory_space<hbm>> -> memref<512xi32, #tpu.memory_space<hbm>>
      %dma_wait3A_610 = arith.constant 0 : i32
      %dma_wait3A_611 = tpu.memref_slice %arg10[%run_scoped3A_13, %dma_wait3A_610] : memref<6x512xi32, #tpu.memory_space<vmem>> -> memref<1x512xi32, #tpu.memory_space<vmem>>
      %dma_wait3A_612 = tpu.memref_squeeze %dma_wait3A_611 : memref<1x512xi32, #tpu.memory_space<vmem>> -> memref<512xi32, #tpu.memory_space<vmem>>
      %dma_wait3A_613 = tpu.memref_slice %arg2[%run_scoped3A_12, %mul3A_2] : memref<6x16384xi32, #tpu.memory_space<hbm>> -> memref<1x512xi32, #tpu.memory_space<hbm>>
      %dma_wait3A_614 = tpu.memref_squeeze %dma_wait3A_613 : memref<1x512xi32, #tpu.memory_space<hbm>> -> memref<512xi32, #tpu.memory_space<hbm>>
      tpu.wait_dma2 semaphore(%run_scoped3A_594 : memref<!tpu.dma_semaphore, #tpu.memory_space<semaphore_mem>>) src(%dma_wait3A_614 : memref<512xi32, #tpu.memory_space<hbm>>) dst(%dma_wait3A_612 : memref<512xi32, #tpu.memory_space<vmem>>)
      tpu.yield
    }) : () -> ()
    %dma_start3A = arith.constant 0 : i32
    %dma_start3A_14 = arith.constant 0 : i32
    %dma_start3A_15 = arith.constant 0 : i32
    %dma_start3A_16 = arith.constant 0 : i32
    %dma_start3A_17 = tpu.memref_slice %arg11[%dma_start3A_14, %dma_start3A_15, %dma_start3A_16] : memref<6x512x8xf32, #tpu.memory_space<vmem>> -> memref<1x128x8xf32, #tpu.memory_space<vmem>>
    %dma_start3A_18 = tpu.memref_squeeze %dma_start3A_17 : memref<1x128x8xf32, #tpu.memory_space<vmem>> -> memref<128x8xf32, #tpu.memory_space<vmem>>
    %dma_start3A_19 = arith.constant 0 : i32
    %dma_start3A_20 = tpu.memref_slice %arg10[%dma_start3A, %dma_start3A_19] : memref<6x512xi32, #tpu.memory_space<vmem>> -> memref<1x128xi32, #tpu.memory_space<vmem>>
    %dma_start3A_21 = tpu.memref_squeeze %dma_start3A_20 : memref<1x128xi32, #tpu.memory_space<vmem>> -> memref<128xi32, #tpu.memory_space<vmem>>
    %dma_start3A_22 = arith.constant 0 : i32
    %dma_start3A_23 = arith.constant 0 : i32
    %dma_start3A_24 = tpu.memref_slice %arg3[%dma_start3A_22, %dma_start3A_23] : memref<100016x8xf32, #tpu.memory_space<hbm>> -> memref<100016x8xf32, #tpu.memory_space<hbm>>
    tpu.enqueue_indirect_dma source(%dma_start3A_24 : memref<100016x8xf32, #tpu.memory_space<hbm>>) target(%dma_start3A_18 : memref<128x8xf32, #tpu.memory_space<vmem>>) offsets(%dma_start3A_21 : memref<128xi32, #tpu.memory_space<vmem>>) semaphore(%arg12 : memref<!tpu.dma_semaphore, #tpu.memory_space<semaphore_mem>>)
    %dma_start3A_25 = arith.constant 0 : i32
    %dma_start3A_26 = arith.constant 0 : i32
    %dma_start3A_27 = arith.constant 128 : i32
    %dma_start3A_28 = arith.constant 0 : i32
    %dma_start3A_29 = tpu.memref_slice %arg11[%dma_start3A_26, %dma_start3A_27, %dma_start3A_28] : memref<6x512x8xf32, #tpu.memory_space<vmem>> -> memref<1x128x8xf32, #tpu.memory_space<vmem>>
    %dma_start3A_30 = tpu.memref_squeeze %dma_start3A_29 : memref<1x128x8xf32, #tpu.memory_space<vmem>> -> memref<128x8xf32, #tpu.memory_space<vmem>>
    %dma_start3A_31 = arith.constant 128 : i32
    %dma_start3A_32 = tpu.memref_slice %arg10[%dma_start3A_25, %dma_start3A_31] : memref<6x512xi32, #tpu.memory_space<vmem>> -> memref<1x128xi32, #tpu.memory_space<vmem>>
    %dma_start3A_33 = tpu.memref_squeeze %dma_start3A_32 : memref<1x128xi32, #tpu.memory_space<vmem>> -> memref<128xi32, #tpu.memory_space<vmem>>
    %dma_start3A_34 = arith.constant 0 : i32
    %dma_start3A_35 = arith.constant 0 : i32
    %dma_start3A_36 = tpu.memref_slice %arg3[%dma_start3A_34, %dma_start3A_35] : memref<100016x8xf32, #tpu.memory_space<hbm>> -> memref<100016x8xf32, #tpu.memory_space<hbm>>
    tpu.enqueue_indirect_dma source(%dma_start3A_36 : memref<100016x8xf32, #tpu.memory_space<hbm>>) target(%dma_start3A_30 : memref<128x8xf32, #tpu.memory_space<vmem>>) offsets(%dma_start3A_33 : memref<128xi32, #tpu.memory_space<vmem>>) semaphore(%arg12 : memref<!tpu.dma_semaphore, #tpu.memory_space<semaphore_mem>>)
    %dma_start3A_37 = arith.constant 0 : i32
    %dma_start3A_38 = arith.constant 0 : i32
    %dma_start3A_39 = arith.constant 256 : i32
    %dma_start3A_40 = arith.constant 0 : i32
    %dma_start3A_41 = tpu.memref_slice %arg11[%dma_start3A_38, %dma_start3A_39, %dma_start3A_40] : memref<6x512x8xf32, #tpu.memory_space<vmem>> -> memref<1x128x8xf32, #tpu.memory_space<vmem>>
    %dma_start3A_42 = tpu.memref_squeeze %dma_start3A_41 : memref<1x128x8xf32, #tpu.memory_space<vmem>> -> memref<128x8xf32, #tpu.memory_space<vmem>>
    %dma_start3A_43 = arith.constant 256 : i32
    %dma_start3A_44 = tpu.memref_slice %arg10[%dma_start3A_37, %dma_start3A_43] : memref<6x512xi32, #tpu.memory_space<vmem>> -> memref<1x128xi32, #tpu.memory_space<vmem>>
    %dma_start3A_45 = tpu.memref_squeeze %dma_start3A_44 : memref<1x128xi32, #tpu.memory_space<vmem>> -> memref<128xi32, #tpu.memory_space<vmem>>
    %dma_start3A_46 = arith.constant 0 : i32
    %dma_start3A_47 = arith.constant 0 : i32
    %dma_start3A_48 = tpu.memref_slice %arg3[%dma_start3A_46, %dma_start3A_47] : memref<100016x8xf32, #tpu.memory_space<hbm>> -> memref<100016x8xf32, #tpu.memory_space<hbm>>
    tpu.enqueue_indirect_dma source(%dma_start3A_48 : memref<100016x8xf32, #tpu.memory_space<hbm>>) target(%dma_start3A_42 : memref<128x8xf32, #tpu.memory_space<vmem>>) offsets(%dma_start3A_45 : memref<128xi32, #tpu.memory_space<vmem>>) semaphore(%arg12 : memref<!tpu.dma_semaphore, #tpu.memory_space<semaphore_mem>>)
    %dma_start3A_49 = arith.constant 0 : i32
    %dma_start3A_50 = arith.constant 0 : i32
    %dma_start3A_51 = arith.constant 384 : i32
    %dma_start3A_52 = arith.constant 0 : i32
    %dma_start3A_53 = tpu.memref_slice %arg11[%dma_start3A_50, %dma_start3A_51, %dma_start3A_52] : memref<6x512x8xf32, #tpu.memory_space<vmem>> -> memref<1x128x8xf32, #tpu.memory_space<vmem>>
    %dma_start3A_54 = tpu.memref_squeeze %dma_start3A_53 : memref<1x128x8xf32, #tpu.memory_space<vmem>> -> memref<128x8xf32, #tpu.memory_space<vmem>>
    %dma_start3A_55 = arith.constant 384 : i32
    %dma_start3A_56 = tpu.memref_slice %arg10[%dma_start3A_49, %dma_start3A_55] : memref<6x512xi32, #tpu.memory_space<vmem>> -> memref<1x128xi32, #tpu.memory_space<vmem>>
    %dma_start3A_57 = tpu.memref_squeeze %dma_start3A_56 : memref<1x128xi32, #tpu.memory_space<vmem>> -> memref<128xi32, #tpu.memory_space<vmem>>
    %dma_start3A_58 = arith.constant 0 : i32
    %dma_start3A_59 = arith.constant 0 : i32
    %dma_start3A_60 = tpu.memref_slice %arg3[%dma_start3A_58, %dma_start3A_59] : memref<100016x8xf32, #tpu.memory_space<hbm>> -> memref<100016x8xf32, #tpu.memory_space<hbm>>
    tpu.enqueue_indirect_dma source(%dma_start3A_60 : memref<100016x8xf32, #tpu.memory_space<hbm>>) target(%dma_start3A_54 : memref<128x8xf32, #tpu.memory_space<vmem>>) offsets(%dma_start3A_57 : memref<128xi32, #tpu.memory_space<vmem>>) semaphore(%arg12 : memref<!tpu.dma_semaphore, #tpu.memory_space<semaphore_mem>>)
    %dma_start3A_61 = arith.constant 1 : i32
    %dma_start3A_62 = arith.constant 1 : i32
    %dma_start3A_63 = arith.constant 0 : i32
    %dma_start3A_64 = arith.constant 0 : i32
    %dma_start3A_65 = tpu.memref_slice %arg11[%dma_start3A_62, %dma_start3A_63, %dma_start3A_64] : memref<6x512x8xf32, #tpu.memory_space<vmem>> -> memref<1x128x8xf32, #tpu.memory_space<vmem>>
    %dma_start3A_66 = tpu.memref_squeeze %dma_start3A_65 : memref<1x128x8xf32, #tpu.memory_space<vmem>> -> memref<128x8xf32, #tpu.memory_space<vmem>>
    %dma_start3A_67 = arith.constant 0 : i32
    %dma_start3A_68 = tpu.memref_slice %arg10[%dma_start3A_61, %dma_start3A_67] : memref<6x512xi32, #tpu.memory_space<vmem>> -> memref<1x128xi32, #tpu.memory_space<vmem>>
    %dma_start3A_69 = tpu.memref_squeeze %dma_start3A_68 : memref<1x128xi32, #tpu.memory_space<vmem>> -> memref<128xi32, #tpu.memory_space<vmem>>
    %dma_start3A_70 = arith.constant 0 : i32
    %dma_start3A_71 = arith.constant 0 : i32
    %dma_start3A_72 = tpu.memref_slice %arg4[%dma_start3A_70, %dma_start3A_71] : memref<100016x8xf32, #tpu.memory_space<hbm>> -> memref<100016x8xf32, #tpu.memory_space<hbm>>
    tpu.enqueue_indirect_dma source(%dma_start3A_72 : memref<100016x8xf32, #tpu.memory_space<hbm>>) target(%dma_start3A_66 : memref<128x8xf32, #tpu.memory_space<vmem>>) offsets(%dma_start3A_69 : memref<128xi32, #tpu.memory_space<vmem>>) semaphore(%arg12 : memref<!tpu.dma_semaphore, #tpu.memory_space<semaphore_mem>>)
    %dma_start3A_73 = arith.constant 1 : i32
    %dma_start3A_74 = arith.constant 1 : i32
    %dma_start3A_75 = arith.constant 128 : i32
    %dma_start3A_76 = arith.constant 0 : i32
    %dma_start3A_77 = tpu.memref_slice %arg11[%dma_start3A_74, %dma_start3A_75, %dma_start3A_76] : memref<6x512x8xf32, #tpu.memory_space<vmem>> -> memref<1x128x8xf32, #tpu.memory_space<vmem>>
    %dma_start3A_78 = tpu.memref_squeeze %dma_start3A_77 : memref<1x128x8xf32, #tpu.memory_space<vmem>> -> memref<128x8xf32, #tpu.memory_space<vmem>>
    %dma_start3A_79 = arith.constant 128 : i32
    %dma_start3A_80 = tpu.memref_slice %arg10[%dma_start3A_73, %dma_start3A_79] : memref<6x512xi32, #tpu.memory_space<vmem>> -> memref<1x128xi32, #tpu.memory_space<vmem>>
    %dma_start3A_81 = tpu.memref_squeeze %dma_start3A_80 : memref<1x128xi32, #tpu.memory_space<vmem>> -> memref<128xi32, #tpu.memory_space<vmem>>
    %dma_start3A_82 = arith.constant 0 : i32
    %dma_start3A_83 = arith.constant 0 : i32
    %dma_start3A_84 = tpu.memref_slice %arg4[%dma_start3A_82, %dma_start3A_83] : memref<100016x8xf32, #tpu.memory_space<hbm>> -> memref<100016x8xf32, #tpu.memory_space<hbm>>
    tpu.enqueue_indirect_dma source(%dma_start3A_84 : memref<100016x8xf32, #tpu.memory_space<hbm>>) target(%dma_start3A_78 : memref<128x8xf32, #tpu.memory_space<vmem>>) offsets(%dma_start3A_81 : memref<128xi32, #tpu.memory_space<vmem>>) semaphore(%arg12 : memref<!tpu.dma_semaphore, #tpu.memory_space<semaphore_mem>>)
    %dma_start3A_85 = arith.constant 1 : i32
    %dma_start3A_86 = arith.constant 1 : i32
    %dma_start3A_87 = arith.constant 256 : i32
    %dma_start3A_88 = arith.constant 0 : i32
    %dma_start3A_89 = tpu.memref_slice %arg11[%dma_start3A_86, %dma_start3A_87, %dma_start3A_88] : memref<6x512x8xf32, #tpu.memory_space<vmem>> -> memref<1x128x8xf32, #tpu.memory_space<vmem>>
    %dma_start3A_90 = tpu.memref_squeeze %dma_start3A_89 : memref<1x128x8xf32, #tpu.memory_space<vmem>> -> memref<128x8xf32, #tpu.memory_space<vmem>>
    %dma_start3A_91 = arith.constant 256 : i32
    %dma_start3A_92 = tpu.memref_slice %arg10[%dma_start3A_85, %dma_start3A_91] : memref<6x512xi32, #tpu.memory_space<vmem>> -> memref<1x128xi32, #tpu.memory_space<vmem>>
    %dma_start3A_93 = tpu.memref_squeeze %dma_start3A_92 : memref<1x128xi32, #tpu.memory_space<vmem>> -> memref<128xi32, #tpu.memory_space<vmem>>
    %dma_start3A_94 = arith.constant 0 : i32
    %dma_start3A_95 = arith.constant 0 : i32
    %dma_start3A_96 = tpu.memref_slice %arg4[%dma_start3A_94, %dma_start3A_95] : memref<100016x8xf32, #tpu.memory_space<hbm>> -> memref<100016x8xf32, #tpu.memory_space<hbm>>
    tpu.enqueue_indirect_dma source(%dma_start3A_96 : memref<100016x8xf32, #tpu.memory_space<hbm>>) target(%dma_start3A_90 : memref<128x8xf32, #tpu.memory_space<vmem>>) offsets(%dma_start3A_93 : memref<128xi32, #tpu.memory_space<vmem>>) semaphore(%arg12 : memref<!tpu.dma_semaphore, #tpu.memory_space<semaphore_mem>>)
    %dma_start3A_97 = arith.constant 1 : i32
    %dma_start3A_98 = arith.constant 1 : i32
    %dma_start3A_99 = arith.constant 384 : i32
    %dma_start3A_100 = arith.constant 0 : i32
    %dma_start3A_101 = tpu.memref_slice %arg11[%dma_start3A_98, %dma_start3A_99, %dma_start3A_100] : memref<6x512x8xf32, #tpu.memory_space<vmem>> -> memref<1x128x8xf32, #tpu.memory_space<vmem>>
    %dma_start3A_102 = tpu.memref_squeeze %dma_start3A_101 : memref<1x128x8xf32, #tpu.memory_space<vmem>> -> memref<128x8xf32, #tpu.memory_space<vmem>>
    %dma_start3A_103 = arith.constant 384 : i32
    %dma_start3A_104 = tpu.memref_slice %arg10[%dma_start3A_97, %dma_start3A_103] : memref<6x512xi32, #tpu.memory_space<vmem>> -> memref<1x128xi32, #tpu.memory_space<vmem>>
    %dma_start3A_105 = tpu.memref_squeeze %dma_start3A_104 : memref<1x128xi32, #tpu.memory_space<vmem>> -> memref<128xi32, #tpu.memory_space<vmem>>
    %dma_start3A_106 = arith.constant 0 : i32
    %dma_start3A_107 = arith.constant 0 : i32
    %dma_start3A_108 = tpu.memref_slice %arg4[%dma_start3A_106, %dma_start3A_107] : memref<100016x8xf32, #tpu.memory_space<hbm>> -> memref<100016x8xf32, #tpu.memory_space<hbm>>
    tpu.enqueue_indirect_dma source(%dma_start3A_108 : memref<100016x8xf32, #tpu.memory_space<hbm>>) target(%dma_start3A_102 : memref<128x8xf32, #tpu.memory_space<vmem>>) offsets(%dma_start3A_105 : memref<128xi32, #tpu.memory_space<vmem>>) semaphore(%arg12 : memref<!tpu.dma_semaphore, #tpu.memory_space<semaphore_mem>>)
    %dma_start3A_109 = arith.constant 2 : i32
    %dma_start3A_110 = arith.constant 2 : i32
    %dma_start3A_111 = arith.constant 0 : i32
    %dma_start3A_112 = arith.constant 0 : i32
    %dma_start3A_113 = tpu.memref_slice %arg11[%dma_start3A_110, %dma_start3A_111, %dma_start3A_112] : memref<6x512x8xf32, #tpu.memory_space<vmem>> -> memref<1x128x8xf32, #tpu.memory_space<vmem>>
    %dma_start3A_114 = tpu.memref_squeeze %dma_start3A_113 : memref<1x128x8xf32, #tpu.memory_space<vmem>> -> memref<128x8xf32, #tpu.memory_space<vmem>>
    %dma_start3A_115 = arith.constant 0 : i32
    %dma_start3A_116 = tpu.memref_slice %arg10[%dma_start3A_109, %dma_start3A_115] : memref<6x512xi32, #tpu.memory_space<vmem>> -> memref<1x128xi32, #tpu.memory_space<vmem>>
    %dma_start3A_117 = tpu.memref_squeeze %dma_start3A_116 : memref<1x128xi32, #tpu.memory_space<vmem>> -> memref<128xi32, #tpu.memory_space<vmem>>
    %dma_start3A_118 = arith.constant 0 : i32
    %dma_start3A_119 = arith.constant 0 : i32
    %dma_start3A_120 = tpu.memref_slice %arg5[%dma_start3A_118, %dma_start3A_119] : memref<100016x8xf32, #tpu.memory_space<hbm>> -> memref<100016x8xf32, #tpu.memory_space<hbm>>
    tpu.enqueue_indirect_dma source(%dma_start3A_120 : memref<100016x8xf32, #tpu.memory_space<hbm>>) target(%dma_start3A_114 : memref<128x8xf32, #tpu.memory_space<vmem>>) offsets(%dma_start3A_117 : memref<128xi32, #tpu.memory_space<vmem>>) semaphore(%arg12 : memref<!tpu.dma_semaphore, #tpu.memory_space<semaphore_mem>>)
    %dma_start3A_121 = arith.constant 2 : i32
    %dma_start3A_122 = arith.constant 2 : i32
    %dma_start3A_123 = arith.constant 128 : i32
    %dma_start3A_124 = arith.constant 0 : i32
    %dma_start3A_125 = tpu.memref_slice %arg11[%dma_start3A_122, %dma_start3A_123, %dma_start3A_124] : memref<6x512x8xf32, #tpu.memory_space<vmem>> -> memref<1x128x8xf32, #tpu.memory_space<vmem>>
    %dma_start3A_126 = tpu.memref_squeeze %dma_start3A_125 : memref<1x128x8xf32, #tpu.memory_space<vmem>> -> memref<128x8xf32, #tpu.memory_space<vmem>>
    %dma_start3A_127 = arith.constant 128 : i32
    %dma_start3A_128 = tpu.memref_slice %arg10[%dma_start3A_121, %dma_start3A_127] : memref<6x512xi32, #tpu.memory_space<vmem>> -> memref<1x128xi32, #tpu.memory_space<vmem>>
    %dma_start3A_129 = tpu.memref_squeeze %dma_start3A_128 : memref<1x128xi32, #tpu.memory_space<vmem>> -> memref<128xi32, #tpu.memory_space<vmem>>
    %dma_start3A_130 = arith.constant 0 : i32
    %dma_start3A_131 = arith.constant 0 : i32
    %dma_start3A_132 = tpu.memref_slice %arg5[%dma_start3A_130, %dma_start3A_131] : memref<100016x8xf32, #tpu.memory_space<hbm>> -> memref<100016x8xf32, #tpu.memory_space<hbm>>
    tpu.enqueue_indirect_dma source(%dma_start3A_132 : memref<100016x8xf32, #tpu.memory_space<hbm>>) target(%dma_start3A_126 : memref<128x8xf32, #tpu.memory_space<vmem>>) offsets(%dma_start3A_129 : memref<128xi32, #tpu.memory_space<vmem>>) semaphore(%arg12 : memref<!tpu.dma_semaphore, #tpu.memory_space<semaphore_mem>>)
    %dma_start3A_133 = arith.constant 2 : i32
    %dma_start3A_134 = arith.constant 2 : i32
    %dma_start3A_135 = arith.constant 256 : i32
    %dma_start3A_136 = arith.constant 0 : i32
    %dma_start3A_137 = tpu.memref_slice %arg11[%dma_start3A_134, %dma_start3A_135, %dma_start3A_136] : memref<6x512x8xf32, #tpu.memory_space<vmem>> -> memref<1x128x8xf32, #tpu.memory_space<vmem>>
    %dma_start3A_138 = tpu.memref_squeeze %dma_start3A_137 : memref<1x128x8xf32, #tpu.memory_space<vmem>> -> memref<128x8xf32, #tpu.memory_space<vmem>>
    %dma_start3A_139 = arith.constant 256 : i32
    %dma_start3A_140 = tpu.memref_slice %arg10[%dma_start3A_133, %dma_start3A_139] : memref<6x512xi32, #tpu.memory_space<vmem>> -> memref<1x128xi32, #tpu.memory_space<vmem>>
    %dma_start3A_141 = tpu.memref_squeeze %dma_start3A_140 : memref<1x128xi32, #tpu.memory_space<vmem>> -> memref<128xi32, #tpu.memory_space<vmem>>
    %dma_start3A_142 = arith.constant 0 : i32
    %dma_start3A_143 = arith.constant 0 : i32
    %dma_start3A_144 = tpu.memref_slice %arg5[%dma_start3A_142, %dma_start3A_143] : memref<100016x8xf32, #tpu.memory_space<hbm>> -> memref<100016x8xf32, #tpu.memory_space<hbm>>
    tpu.enqueue_indirect_dma source(%dma_start3A_144 : memref<100016x8xf32, #tpu.memory_space<hbm>>) target(%dma_start3A_138 : memref<128x8xf32, #tpu.memory_space<vmem>>) offsets(%dma_start3A_141 : memref<128xi32, #tpu.memory_space<vmem>>) semaphore(%arg12 : memref<!tpu.dma_semaphore, #tpu.memory_space<semaphore_mem>>)
    %dma_start3A_145 = arith.constant 2 : i32
    %dma_start3A_146 = arith.constant 2 : i32
    %dma_start3A_147 = arith.constant 384 : i32
    %dma_start3A_148 = arith.constant 0 : i32
    %dma_start3A_149 = tpu.memref_slice %arg11[%dma_start3A_146, %dma_start3A_147, %dma_start3A_148] : memref<6x512x8xf32, #tpu.memory_space<vmem>> -> memref<1x128x8xf32, #tpu.memory_space<vmem>>
    %dma_start3A_150 = tpu.memref_squeeze %dma_start3A_149 : memref<1x128x8xf32, #tpu.memory_space<vmem>> -> memref<128x8xf32, #tpu.memory_space<vmem>>
    %dma_start3A_151 = arith.constant 384 : i32
    %dma_start3A_152 = tpu.memref_slice %arg10[%dma_start3A_145, %dma_start3A_151] : memref<6x512xi32, #tpu.memory_space<vmem>> -> memref<1x128xi32, #tpu.memory_space<vmem>>
    %dma_start3A_153 = tpu.memref_squeeze %dma_start3A_152 : memref<1x128xi32, #tpu.memory_space<vmem>> -> memref<128xi32, #tpu.memory_space<vmem>>
    %dma_start3A_154 = arith.constant 0 : i32
    %dma_start3A_155 = arith.constant 0 : i32
    %dma_start3A_156 = tpu.memref_slice %arg5[%dma_start3A_154, %dma_start3A_155] : memref<100016x8xf32, #tpu.memory_space<hbm>> -> memref<100016x8xf32, #tpu.memory_space<hbm>>
    tpu.enqueue_indirect_dma source(%dma_start3A_156 : memref<100016x8xf32, #tpu.memory_space<hbm>>) target(%dma_start3A_150 : memref<128x8xf32, #tpu.memory_space<vmem>>) offsets(%dma_start3A_153 : memref<128xi32, #tpu.memory_space<vmem>>) semaphore(%arg12 : memref<!tpu.dma_semaphore, #tpu.memory_space<semaphore_mem>>)
    %dma_start3A_157 = arith.constant 3 : i32
    %dma_start3A_158 = arith.constant 3 : i32
    %dma_start3A_159 = arith.constant 0 : i32
    %dma_start3A_160 = arith.constant 0 : i32
    %dma_start3A_161 = tpu.memref_slice %arg11[%dma_start3A_158, %dma_start3A_159, %dma_start3A_160] : memref<6x512x8xf32, #tpu.memory_space<vmem>> -> memref<1x128x8xf32, #tpu.memory_space<vmem>>
    %dma_start3A_162 = tpu.memref_squeeze %dma_start3A_161 : memref<1x128x8xf32, #tpu.memory_space<vmem>> -> memref<128x8xf32, #tpu.memory_space<vmem>>
    %dma_start3A_163 = arith.constant 0 : i32
    %dma_start3A_164 = tpu.memref_slice %arg10[%dma_start3A_157, %dma_start3A_163] : memref<6x512xi32, #tpu.memory_space<vmem>> -> memref<1x128xi32, #tpu.memory_space<vmem>>
    %dma_start3A_165 = tpu.memref_squeeze %dma_start3A_164 : memref<1x128xi32, #tpu.memory_space<vmem>> -> memref<128xi32, #tpu.memory_space<vmem>>
    %dma_start3A_166 = arith.constant 0 : i32
    %dma_start3A_167 = arith.constant 0 : i32
    %dma_start3A_168 = tpu.memref_slice %arg6[%dma_start3A_166, %dma_start3A_167] : memref<100016x8xf32, #tpu.memory_space<hbm>> -> memref<100016x8xf32, #tpu.memory_space<hbm>>
    tpu.enqueue_indirect_dma source(%dma_start3A_168 : memref<100016x8xf32, #tpu.memory_space<hbm>>) target(%dma_start3A_162 : memref<128x8xf32, #tpu.memory_space<vmem>>) offsets(%dma_start3A_165 : memref<128xi32, #tpu.memory_space<vmem>>) semaphore(%arg12 : memref<!tpu.dma_semaphore, #tpu.memory_space<semaphore_mem>>)
    %dma_start3A_169 = arith.constant 3 : i32
    %dma_start3A_170 = arith.constant 3 : i32
    %dma_start3A_171 = arith.constant 128 : i32
    %dma_start3A_172 = arith.constant 0 : i32
    %dma_start3A_173 = tpu.memref_slice %arg11[%dma_start3A_170, %dma_start3A_171, %dma_start3A_172] : memref<6x512x8xf32, #tpu.memory_space<vmem>> -> memref<1x128x8xf32, #tpu.memory_space<vmem>>
    %dma_start3A_174 = tpu.memref_squeeze %dma_start3A_173 : memref<1x128x8xf32, #tpu.memory_space<vmem>> -> memref<128x8xf32, #tpu.memory_space<vmem>>
    %dma_start3A_175 = arith.constant 128 : i32
    %dma_start3A_176 = tpu.memref_slice %arg10[%dma_start3A_169, %dma_start3A_175] : memref<6x512xi32, #tpu.memory_space<vmem>> -> memref<1x128xi32, #tpu.memory_space<vmem>>
    %dma_start3A_177 = tpu.memref_squeeze %dma_start3A_176 : memref<1x128xi32, #tpu.memory_space<vmem>> -> memref<128xi32, #tpu.memory_space<vmem>>
    %dma_start3A_178 = arith.constant 0 : i32
    %dma_start3A_179 = arith.constant 0 : i32
    %dma_start3A_180 = tpu.memref_slice %arg6[%dma_start3A_178, %dma_start3A_179] : memref<100016x8xf32, #tpu.memory_space<hbm>> -> memref<100016x8xf32, #tpu.memory_space<hbm>>
    tpu.enqueue_indirect_dma source(%dma_start3A_180 : memref<100016x8xf32, #tpu.memory_space<hbm>>) target(%dma_start3A_174 : memref<128x8xf32, #tpu.memory_space<vmem>>) offsets(%dma_start3A_177 : memref<128xi32, #tpu.memory_space<vmem>>) semaphore(%arg12 : memref<!tpu.dma_semaphore, #tpu.memory_space<semaphore_mem>>)
    %dma_start3A_181 = arith.constant 3 : i32
    %dma_start3A_182 = arith.constant 3 : i32
    %dma_start3A_183 = arith.constant 256 : i32
    %dma_start3A_184 = arith.constant 0 : i32
    %dma_start3A_185 = tpu.memref_slice %arg11[%dma_start3A_182, %dma_start3A_183, %dma_start3A_184] : memref<6x512x8xf32, #tpu.memory_space<vmem>> -> memref<1x128x8xf32, #tpu.memory_space<vmem>>
    %dma_start3A_186 = tpu.memref_squeeze %dma_start3A_185 : memref<1x128x8xf32, #tpu.memory_space<vmem>> -> memref<128x8xf32, #tpu.memory_space<vmem>>
    %dma_start3A_187 = arith.constant 256 : i32
    %dma_start3A_188 = tpu.memref_slice %arg10[%dma_start3A_181, %dma_start3A_187] : memref<6x512xi32, #tpu.memory_space<vmem>> -> memref<1x128xi32, #tpu.memory_space<vmem>>
    %dma_start3A_189 = tpu.memref_squeeze %dma_start3A_188 : memref<1x128xi32, #tpu.memory_space<vmem>> -> memref<128xi32, #tpu.memory_space<vmem>>
    %dma_start3A_190 = arith.constant 0 : i32
    %dma_start3A_191 = arith.constant 0 : i32
    %dma_start3A_192 = tpu.memref_slice %arg6[%dma_start3A_190, %dma_start3A_191] : memref<100016x8xf32, #tpu.memory_space<hbm>> -> memref<100016x8xf32, #tpu.memory_space<hbm>>
    tpu.enqueue_indirect_dma source(%dma_start3A_192 : memref<100016x8xf32, #tpu.memory_space<hbm>>) target(%dma_start3A_186 : memref<128x8xf32, #tpu.memory_space<vmem>>) offsets(%dma_start3A_189 : memref<128xi32, #tpu.memory_space<vmem>>) semaphore(%arg12 : memref<!tpu.dma_semaphore, #tpu.memory_space<semaphore_mem>>)
    %dma_start3A_193 = arith.constant 3 : i32
    %dma_start3A_194 = arith.constant 3 : i32
    %dma_start3A_195 = arith.constant 384 : i32
    %dma_start3A_196 = arith.constant 0 : i32
    %dma_start3A_197 = tpu.memref_slice %arg11[%dma_start3A_194, %dma_start3A_195, %dma_start3A_196] : memref<6x512x8xf32, #tpu.memory_space<vmem>> -> memref<1x128x8xf32, #tpu.memory_space<vmem>>
    %dma_start3A_198 = tpu.memref_squeeze %dma_start3A_197 : memref<1x128x8xf32, #tpu.memory_space<vmem>> -> memref<128x8xf32, #tpu.memory_space<vmem>>
    %dma_start3A_199 = arith.constant 384 : i32
    %dma_start3A_200 = tpu.memref_slice %arg10[%dma_start3A_193, %dma_start3A_199] : memref<6x512xi32, #tpu.memory_space<vmem>> -> memref<1x128xi32, #tpu.memory_space<vmem>>
    %dma_start3A_201 = tpu.memref_squeeze %dma_start3A_200 : memref<1x128xi32, #tpu.memory_space<vmem>> -> memref<128xi32, #tpu.memory_space<vmem>>
    %dma_start3A_202 = arith.constant 0 : i32
    %dma_start3A_203 = arith.constant 0 : i32
    %dma_start3A_204 = tpu.memref_slice %arg6[%dma_start3A_202, %dma_start3A_203] : memref<100016x8xf32, #tpu.memory_space<hbm>> -> memref<100016x8xf32, #tpu.memory_space<hbm>>
    tpu.enqueue_indirect_dma source(%dma_start3A_204 : memref<100016x8xf32, #tpu.memory_space<hbm>>) target(%dma_start3A_198 : memref<128x8xf32, #tpu.memory_space<vmem>>) offsets(%dma_start3A_201 : memref<128xi32, #tpu.memory_space<vmem>>) semaphore(%arg12 : memref<!tpu.dma_semaphore, #tpu.memory_space<semaphore_mem>>)
    %dma_start3A_205 = arith.constant 4 : i32
    %dma_start3A_206 = arith.constant 4 : i32
    %dma_start3A_207 = arith.constant 0 : i32
    %dma_start3A_208 = arith.constant 0 : i32
    %dma_start3A_209 = tpu.memref_slice %arg11[%dma_start3A_206, %dma_start3A_207, %dma_start3A_208] : memref<6x512x8xf32, #tpu.memory_space<vmem>> -> memref<1x128x8xf32, #tpu.memory_space<vmem>>
    %dma_start3A_210 = tpu.memref_squeeze %dma_start3A_209 : memref<1x128x8xf32, #tpu.memory_space<vmem>> -> memref<128x8xf32, #tpu.memory_space<vmem>>
    %dma_start3A_211 = arith.constant 0 : i32
    %dma_start3A_212 = tpu.memref_slice %arg10[%dma_start3A_205, %dma_start3A_211] : memref<6x512xi32, #tpu.memory_space<vmem>> -> memref<1x128xi32, #tpu.memory_space<vmem>>
    %dma_start3A_213 = tpu.memref_squeeze %dma_start3A_212 : memref<1x128xi32, #tpu.memory_space<vmem>> -> memref<128xi32, #tpu.memory_space<vmem>>
    %dma_start3A_214 = arith.constant 0 : i32
    %dma_start3A_215 = arith.constant 0 : i32
    %dma_start3A_216 = tpu.memref_slice %arg7[%dma_start3A_214, %dma_start3A_215] : memref<100016x8xf32, #tpu.memory_space<hbm>> -> memref<100016x8xf32, #tpu.memory_space<hbm>>
    tpu.enqueue_indirect_dma source(%dma_start3A_216 : memref<100016x8xf32, #tpu.memory_space<hbm>>) target(%dma_start3A_210 : memref<128x8xf32, #tpu.memory_space<vmem>>) offsets(%dma_start3A_213 : memref<128xi32, #tpu.memory_space<vmem>>) semaphore(%arg12 : memref<!tpu.dma_semaphore, #tpu.memory_space<semaphore_mem>>)
    %dma_start3A_217 = arith.constant 4 : i32
    %dma_start3A_218 = arith.constant 4 : i32
    %dma_start3A_219 = arith.constant 128 : i32
    %dma_start3A_220 = arith.constant 0 : i32
    %dma_start3A_221 = tpu.memref_slice %arg11[%dma_start3A_218, %dma_start3A_219, %dma_start3A_220] : memref<6x512x8xf32, #tpu.memory_space<vmem>> -> memref<1x128x8xf32, #tpu.memory_space<vmem>>
    %dma_start3A_222 = tpu.memref_squeeze %dma_start3A_221 : memref<1x128x8xf32, #tpu.memory_space<vmem>> -> memref<128x8xf32, #tpu.memory_space<vmem>>
    %dma_start3A_223 = arith.constant 128 : i32
    %dma_start3A_224 = tpu.memref_slice %arg10[%dma_start3A_217, %dma_start3A_223] : memref<6x512xi32, #tpu.memory_space<vmem>> -> memref<1x128xi32, #tpu.memory_space<vmem>>
    %dma_start3A_225 = tpu.memref_squeeze %dma_start3A_224 : memref<1x128xi32, #tpu.memory_space<vmem>> -> memref<128xi32, #tpu.memory_space<vmem>>
    %dma_start3A_226 = arith.constant 0 : i32
    %dma_start3A_227 = arith.constant 0 : i32
    %dma_start3A_228 = tpu.memref_slice %arg7[%dma_start3A_226, %dma_start3A_227] : memref<100016x8xf32, #tpu.memory_space<hbm>> -> memref<100016x8xf32, #tpu.memory_space<hbm>>
    tpu.enqueue_indirect_dma source(%dma_start3A_228 : memref<100016x8xf32, #tpu.memory_space<hbm>>) target(%dma_start3A_222 : memref<128x8xf32, #tpu.memory_space<vmem>>) offsets(%dma_start3A_225 : memref<128xi32, #tpu.memory_space<vmem>>) semaphore(%arg12 : memref<!tpu.dma_semaphore, #tpu.memory_space<semaphore_mem>>)
    %dma_start3A_229 = arith.constant 4 : i32
    %dma_start3A_230 = arith.constant 4 : i32
    %dma_start3A_231 = arith.constant 256 : i32
    %dma_start3A_232 = arith.constant 0 : i32
    %dma_start3A_233 = tpu.memref_slice %arg11[%dma_start3A_230, %dma_start3A_231, %dma_start3A_232] : memref<6x512x8xf32, #tpu.memory_space<vmem>> -> memref<1x128x8xf32, #tpu.memory_space<vmem>>
    %dma_start3A_234 = tpu.memref_squeeze %dma_start3A_233 : memref<1x128x8xf32, #tpu.memory_space<vmem>> -> memref<128x8xf32, #tpu.memory_space<vmem>>
    %dma_start3A_235 = arith.constant 256 : i32
    %dma_start3A_236 = tpu.memref_slice %arg10[%dma_start3A_229, %dma_start3A_235] : memref<6x512xi32, #tpu.memory_space<vmem>> -> memref<1x128xi32, #tpu.memory_space<vmem>>
    %dma_start3A_237 = tpu.memref_squeeze %dma_start3A_236 : memref<1x128xi32, #tpu.memory_space<vmem>> -> memref<128xi32, #tpu.memory_space<vmem>>
    %dma_start3A_238 = arith.constant 0 : i32
    %dma_start3A_239 = arith.constant 0 : i32
    %dma_start3A_240 = tpu.memref_slice %arg7[%dma_start3A_238, %dma_start3A_239] : memref<100016x8xf32, #tpu.memory_space<hbm>> -> memref<100016x8xf32, #tpu.memory_space<hbm>>
    tpu.enqueue_indirect_dma source(%dma_start3A_240 : memref<100016x8xf32, #tpu.memory_space<hbm>>) target(%dma_start3A_234 : memref<128x8xf32, #tpu.memory_space<vmem>>) offsets(%dma_start3A_237 : memref<128xi32, #tpu.memory_space<vmem>>) semaphore(%arg12 : memref<!tpu.dma_semaphore, #tpu.memory_space<semaphore_mem>>)
    %dma_start3A_241 = arith.constant 4 : i32
    %dma_start3A_242 = arith.constant 4 : i32
    %dma_start3A_243 = arith.constant 384 : i32
    %dma_start3A_244 = arith.constant 0 : i32
    %dma_start3A_245 = tpu.memref_slice %arg11[%dma_start3A_242, %dma_start3A_243, %dma_start3A_244] : memref<6x512x8xf32, #tpu.memory_space<vmem>> -> memref<1x128x8xf32, #tpu.memory_space<vmem>>
    %dma_start3A_246 = tpu.memref_squeeze %dma_start3A_245 : memref<1x128x8xf32, #tpu.memory_space<vmem>> -> memref<128x8xf32, #tpu.memory_space<vmem>>
    %dma_start3A_247 = arith.constant 384 : i32
    %dma_start3A_248 = tpu.memref_slice %arg10[%dma_start3A_241, %dma_start3A_247] : memref<6x512xi32, #tpu.memory_space<vmem>> -> memref<1x128xi32, #tpu.memory_space<vmem>>
    %dma_start3A_249 = tpu.memref_squeeze %dma_start3A_248 : memref<1x128xi32, #tpu.memory_space<vmem>> -> memref<128xi32, #tpu.memory_space<vmem>>
    %dma_start3A_250 = arith.constant 0 : i32
    %dma_start3A_251 = arith.constant 0 : i32
    %dma_start3A_252 = tpu.memref_slice %arg7[%dma_start3A_250, %dma_start3A_251] : memref<100016x8xf32, #tpu.memory_space<hbm>> -> memref<100016x8xf32, #tpu.memory_space<hbm>>
    tpu.enqueue_indirect_dma source(%dma_start3A_252 : memref<100016x8xf32, #tpu.memory_space<hbm>>) target(%dma_start3A_246 : memref<128x8xf32, #tpu.memory_space<vmem>>) offsets(%dma_start3A_249 : memref<128xi32, #tpu.memory_space<vmem>>) semaphore(%arg12 : memref<!tpu.dma_semaphore, #tpu.memory_space<semaphore_mem>>)
    %dma_start3A_253 = arith.constant 5 : i32
    %dma_start3A_254 = arith.constant 5 : i32
    %dma_start3A_255 = arith.constant 0 : i32
    %dma_start3A_256 = arith.constant 0 : i32
    %dma_start3A_257 = tpu.memref_slice %arg11[%dma_start3A_254, %dma_start3A_255, %dma_start3A_256] : memref<6x512x8xf32, #tpu.memory_space<vmem>> -> memref<1x128x8xf32, #tpu.memory_space<vmem>>
    %dma_start3A_258 = tpu.memref_squeeze %dma_start3A_257 : memref<1x128x8xf32, #tpu.memory_space<vmem>> -> memref<128x8xf32, #tpu.memory_space<vmem>>
    %dma_start3A_259 = arith.constant 0 : i32
    %dma_start3A_260 = tpu.memref_slice %arg10[%dma_start3A_253, %dma_start3A_259] : memref<6x512xi32, #tpu.memory_space<vmem>> -> memref<1x128xi32, #tpu.memory_space<vmem>>
    %dma_start3A_261 = tpu.memref_squeeze %dma_start3A_260 : memref<1x128xi32, #tpu.memory_space<vmem>> -> memref<128xi32, #tpu.memory_space<vmem>>
    %dma_start3A_262 = arith.constant 0 : i32
    %dma_start3A_263 = arith.constant 0 : i32
    %dma_start3A_264 = tpu.memref_slice %arg8[%dma_start3A_262, %dma_start3A_263] : memref<100016x8xf32, #tpu.memory_space<hbm>> -> memref<100016x8xf32, #tpu.memory_space<hbm>>
    tpu.enqueue_indirect_dma source(%dma_start3A_264 : memref<100016x8xf32, #tpu.memory_space<hbm>>) target(%dma_start3A_258 : memref<128x8xf32, #tpu.memory_space<vmem>>) offsets(%dma_start3A_261 : memref<128xi32, #tpu.memory_space<vmem>>) semaphore(%arg12 : memref<!tpu.dma_semaphore, #tpu.memory_space<semaphore_mem>>)
    %dma_start3A_265 = arith.constant 5 : i32
    %dma_start3A_266 = arith.constant 5 : i32
    %dma_start3A_267 = arith.constant 128 : i32
    %dma_start3A_268 = arith.constant 0 : i32
    %dma_start3A_269 = tpu.memref_slice %arg11[%dma_start3A_266, %dma_start3A_267, %dma_start3A_268] : memref<6x512x8xf32, #tpu.memory_space<vmem>> -> memref<1x128x8xf32, #tpu.memory_space<vmem>>
    %dma_start3A_270 = tpu.memref_squeeze %dma_start3A_269 : memref<1x128x8xf32, #tpu.memory_space<vmem>> -> memref<128x8xf32, #tpu.memory_space<vmem>>
    %dma_start3A_271 = arith.constant 128 : i32
    %dma_start3A_272 = tpu.memref_slice %arg10[%dma_start3A_265, %dma_start3A_271] : memref<6x512xi32, #tpu.memory_space<vmem>> -> memref<1x128xi32, #tpu.memory_space<vmem>>
    %dma_start3A_273 = tpu.memref_squeeze %dma_start3A_272 : memref<1x128xi32, #tpu.memory_space<vmem>> -> memref<128xi32, #tpu.memory_space<vmem>>
    %dma_start3A_274 = arith.constant 0 : i32
    %dma_start3A_275 = arith.constant 0 : i32
    %dma_start3A_276 = tpu.memref_slice %arg8[%dma_start3A_274, %dma_start3A_275] : memref<100016x8xf32, #tpu.memory_space<hbm>> -> memref<100016x8xf32, #tpu.memory_space<hbm>>
    tpu.enqueue_indirect_dma source(%dma_start3A_276 : memref<100016x8xf32, #tpu.memory_space<hbm>>) target(%dma_start3A_270 : memref<128x8xf32, #tpu.memory_space<vmem>>) offsets(%dma_start3A_273 : memref<128xi32, #tpu.memory_space<vmem>>) semaphore(%arg12 : memref<!tpu.dma_semaphore, #tpu.memory_space<semaphore_mem>>)
    %dma_start3A_277 = arith.constant 5 : i32
    %dma_start3A_278 = arith.constant 5 : i32
    %dma_start3A_279 = arith.constant 256 : i32
    %dma_start3A_280 = arith.constant 0 : i32
    %dma_start3A_281 = tpu.memref_slice %arg11[%dma_start3A_278, %dma_start3A_279, %dma_start3A_280] : memref<6x512x8xf32, #tpu.memory_space<vmem>> -> memref<1x128x8xf32, #tpu.memory_space<vmem>>
    %dma_start3A_282 = tpu.memref_squeeze %dma_start3A_281 : memref<1x128x8xf32, #tpu.memory_space<vmem>> -> memref<128x8xf32, #tpu.memory_space<vmem>>
    %dma_start3A_283 = arith.constant 256 : i32
    %dma_start3A_284 = tpu.memref_slice %arg10[%dma_start3A_277, %dma_start3A_283] : memref<6x512xi32, #tpu.memory_space<vmem>> -> memref<1x128xi32, #tpu.memory_space<vmem>>
    %dma_start3A_285 = tpu.memref_squeeze %dma_start3A_284 : memref<1x128xi32, #tpu.memory_space<vmem>> -> memref<128xi32, #tpu.memory_space<vmem>>
    %dma_start3A_286 = arith.constant 0 : i32
    %dma_start3A_287 = arith.constant 0 : i32
    %dma_start3A_288 = tpu.memref_slice %arg8[%dma_start3A_286, %dma_start3A_287] : memref<100016x8xf32, #tpu.memory_space<hbm>> -> memref<100016x8xf32, #tpu.memory_space<hbm>>
    tpu.enqueue_indirect_dma source(%dma_start3A_288 : memref<100016x8xf32, #tpu.memory_space<hbm>>) target(%dma_start3A_282 : memref<128x8xf32, #tpu.memory_space<vmem>>) offsets(%dma_start3A_285 : memref<128xi32, #tpu.memory_space<vmem>>) semaphore(%arg12 : memref<!tpu.dma_semaphore, #tpu.memory_space<semaphore_mem>>)
    %dma_start3A_289 = arith.constant 5 : i32
    %dma_start3A_290 = arith.constant 5 : i32
    %dma_start3A_291 = arith.constant 384 : i32
    %dma_start3A_292 = arith.constant 0 : i32
    %dma_start3A_293 = tpu.memref_slice %arg11[%dma_start3A_290, %dma_start3A_291, %dma_start3A_292] : memref<6x512x8xf32, #tpu.memory_space<vmem>> -> memref<1x128x8xf32, #tpu.memory_space<vmem>>
    %dma_start3A_294 = tpu.memref_squeeze %dma_start3A_293 : memref<1x128x8xf32, #tpu.memory_space<vmem>> -> memref<128x8xf32, #tpu.memory_space<vmem>>
    %dma_start3A_295 = arith.constant 384 : i32
    %dma_start3A_296 = tpu.memref_slice %arg10[%dma_start3A_289, %dma_start3A_295] : memref<6x512xi32, #tpu.memory_space<vmem>> -> memref<1x128xi32, #tpu.memory_space<vmem>>
    %dma_start3A_297 = tpu.memref_squeeze %dma_start3A_296 : memref<1x128xi32, #tpu.memory_space<vmem>> -> memref<128xi32, #tpu.memory_space<vmem>>
    %dma_start3A_298 = arith.constant 0 : i32
    %dma_start3A_299 = arith.constant 0 : i32
    %dma_start3A_300 = tpu.memref_slice %arg8[%dma_start3A_298, %dma_start3A_299] : memref<100016x8xf32, #tpu.memory_space<hbm>> -> memref<100016x8xf32, #tpu.memory_space<hbm>>
    tpu.enqueue_indirect_dma source(%dma_start3A_300 : memref<100016x8xf32, #tpu.memory_space<hbm>>) target(%dma_start3A_294 : memref<128x8xf32, #tpu.memory_space<vmem>>) offsets(%dma_start3A_297 : memref<128xi32, #tpu.memory_space<vmem>>) semaphore(%arg12 : memref<!tpu.dma_semaphore, #tpu.memory_space<semaphore_mem>>)
    %dma_wait3A = arith.constant 0 : i32
    %dma_wait3A_301 = arith.constant 0 : i32
    %dma_wait3A_302 = arith.constant 0 : i32
    %dma_wait3A_303 = arith.constant 0 : i32
    %dma_wait3A_304 = tpu.memref_slice %arg11[%dma_wait3A_301, %dma_wait3A_302, %dma_wait3A_303] : memref<6x512x8xf32, #tpu.memory_space<vmem>> -> memref<1x128x8xf32, #tpu.memory_space<vmem>>
    %dma_wait3A_305 = tpu.memref_squeeze %dma_wait3A_304 : memref<1x128x8xf32, #tpu.memory_space<vmem>> -> memref<128x8xf32, #tpu.memory_space<vmem>>
    %dma_wait3A_306 = arith.constant 0 : i32
    %dma_wait3A_307 = tpu.memref_slice %arg10[%dma_wait3A, %dma_wait3A_306] : memref<6x512xi32, #tpu.memory_space<vmem>> -> memref<1x128xi32, #tpu.memory_space<vmem>>
    %dma_wait3A_308 = tpu.memref_squeeze %dma_wait3A_307 : memref<1x128xi32, #tpu.memory_space<vmem>> -> memref<128xi32, #tpu.memory_space<vmem>>
    %dma_wait3A_309 = arith.constant 0 : i32
    %dma_wait3A_310 = arith.constant 0 : i32
    %dma_wait3A_311 = tpu.memref_slice %arg3[%dma_wait3A_309, %dma_wait3A_310] : memref<100016x8xf32, #tpu.memory_space<hbm>> -> memref<100016x8xf32, #tpu.memory_space<hbm>>
    tpu.wait_indirect_dma semaphore(%arg12 : memref<!tpu.dma_semaphore, #tpu.memory_space<semaphore_mem>>) src(%dma_wait3A_311 : memref<100016x8xf32, #tpu.memory_space<hbm>>) dst(%dma_wait3A_305 : memref<128x8xf32, #tpu.memory_space<vmem>>)
    %dma_wait3A_312 = arith.constant 0 : i32
    %dma_wait3A_313 = arith.constant 0 : i32
    %dma_wait3A_314 = arith.constant 128 : i32
    %dma_wait3A_315 = arith.constant 0 : i32
    %dma_wait3A_316 = tpu.memref_slice %arg11[%dma_wait3A_313, %dma_wait3A_314, %dma_wait3A_315] : memref<6x512x8xf32, #tpu.memory_space<vmem>> -> memref<1x128x8xf32, #tpu.memory_space<vmem>>
    %dma_wait3A_317 = tpu.memref_squeeze %dma_wait3A_316 : memref<1x128x8xf32, #tpu.memory_space<vmem>> -> memref<128x8xf32, #tpu.memory_space<vmem>>
    %dma_wait3A_318 = arith.constant 128 : i32
    %dma_wait3A_319 = tpu.memref_slice %arg10[%dma_wait3A_312, %dma_wait3A_318] : memref<6x512xi32, #tpu.memory_space<vmem>> -> memref<1x128xi32, #tpu.memory_space<vmem>>
    %dma_wait3A_320 = tpu.memref_squeeze %dma_wait3A_319 : memref<1x128xi32, #tpu.memory_space<vmem>> -> memref<128xi32, #tpu.memory_space<vmem>>
    %dma_wait3A_321 = arith.constant 0 : i32
    %dma_wait3A_322 = arith.constant 0 : i32
    %dma_wait3A_323 = tpu.memref_slice %arg3[%dma_wait3A_321, %dma_wait3A_322] : memref<100016x8xf32, #tpu.memory_space<hbm>> -> memref<100016x8xf32, #tpu.memory_space<hbm>>
    tpu.wait_indirect_dma semaphore(%arg12 : memref<!tpu.dma_semaphore, #tpu.memory_space<semaphore_mem>>) src(%dma_wait3A_323 : memref<100016x8xf32, #tpu.memory_space<hbm>>) dst(%dma_wait3A_317 : memref<128x8xf32, #tpu.memory_space<vmem>>)
    %dma_wait3A_324 = arith.constant 0 : i32
    %dma_wait3A_325 = arith.constant 0 : i32
    %dma_wait3A_326 = arith.constant 256 : i32
    %dma_wait3A_327 = arith.constant 0 : i32
    %dma_wait3A_328 = tpu.memref_slice %arg11[%dma_wait3A_325, %dma_wait3A_326, %dma_wait3A_327] : memref<6x512x8xf32, #tpu.memory_space<vmem>> -> memref<1x128x8xf32, #tpu.memory_space<vmem>>
    %dma_wait3A_329 = tpu.memref_squeeze %dma_wait3A_328 : memref<1x128x8xf32, #tpu.memory_space<vmem>> -> memref<128x8xf32, #tpu.memory_space<vmem>>
    %dma_wait3A_330 = arith.constant 256 : i32
    %dma_wait3A_331 = tpu.memref_slice %arg10[%dma_wait3A_324, %dma_wait3A_330] : memref<6x512xi32, #tpu.memory_space<vmem>> -> memref<1x128xi32, #tpu.memory_space<vmem>>
    %dma_wait3A_332 = tpu.memref_squeeze %dma_wait3A_331 : memref<1x128xi32, #tpu.memory_space<vmem>> -> memref<128xi32, #tpu.memory_space<vmem>>
    %dma_wait3A_333 = arith.constant 0 : i32
    %dma_wait3A_334 = arith.constant 0 : i32
    %dma_wait3A_335 = tpu.memref_slice %arg3[%dma_wait3A_333, %dma_wait3A_334] : memref<100016x8xf32, #tpu.memory_space<hbm>> -> memref<100016x8xf32, #tpu.memory_space<hbm>>
    tpu.wait_indirect_dma semaphore(%arg12 : memref<!tpu.dma_semaphore, #tpu.memory_space<semaphore_mem>>) src(%dma_wait3A_335 : memref<100016x8xf32, #tpu.memory_space<hbm>>) dst(%dma_wait3A_329 : memref<128x8xf32, #tpu.memory_space<vmem>>)
    %dma_wait3A_336 = arith.constant 0 : i32
    %dma_wait3A_337 = arith.constant 0 : i32
    %dma_wait3A_338 = arith.constant 384 : i32
    %dma_wait3A_339 = arith.constant 0 : i32
    %dma_wait3A_340 = tpu.memref_slice %arg11[%dma_wait3A_337, %dma_wait3A_338, %dma_wait3A_339] : memref<6x512x8xf32, #tpu.memory_space<vmem>> -> memref<1x128x8xf32, #tpu.memory_space<vmem>>
    %dma_wait3A_341 = tpu.memref_squeeze %dma_wait3A_340 : memref<1x128x8xf32, #tpu.memory_space<vmem>> -> memref<128x8xf32, #tpu.memory_space<vmem>>
    %dma_wait3A_342 = arith.constant 384 : i32
    %dma_wait3A_343 = tpu.memref_slice %arg10[%dma_wait3A_336, %dma_wait3A_342] : memref<6x512xi32, #tpu.memory_space<vmem>> -> memref<1x128xi32, #tpu.memory_space<vmem>>
    %dma_wait3A_344 = tpu.memref_squeeze %dma_wait3A_343 : memref<1x128xi32, #tpu.memory_space<vmem>> -> memref<128xi32, #tpu.memory_space<vmem>>
    %dma_wait3A_345 = arith.constant 0 : i32
    %dma_wait3A_346 = arith.constant 0 : i32
    %dma_wait3A_347 = tpu.memref_slice %arg3[%dma_wait3A_345, %dma_wait3A_346] : memref<100016x8xf32, #tpu.memory_space<hbm>> -> memref<100016x8xf32, #tpu.memory_space<hbm>>
    tpu.wait_indirect_dma semaphore(%arg12 : memref<!tpu.dma_semaphore, #tpu.memory_space<semaphore_mem>>) src(%dma_wait3A_347 : memref<100016x8xf32, #tpu.memory_space<hbm>>) dst(%dma_wait3A_341 : memref<128x8xf32, #tpu.memory_space<vmem>>)
    %dma_wait3A_348 = arith.constant 1 : i32
    %dma_wait3A_349 = arith.constant 1 : i32
    %dma_wait3A_350 = arith.constant 0 : i32
    %dma_wait3A_351 = arith.constant 0 : i32
    %dma_wait3A_352 = tpu.memref_slice %arg11[%dma_wait3A_349, %dma_wait3A_350, %dma_wait3A_351] : memref<6x512x8xf32, #tpu.memory_space<vmem>> -> memref<1x128x8xf32, #tpu.memory_space<vmem>>
    %dma_wait3A_353 = tpu.memref_squeeze %dma_wait3A_352 : memref<1x128x8xf32, #tpu.memory_space<vmem>> -> memref<128x8xf32, #tpu.memory_space<vmem>>
    %dma_wait3A_354 = arith.constant 0 : i32
    %dma_wait3A_355 = tpu.memref_slice %arg10[%dma_wait3A_348, %dma_wait3A_354] : memref<6x512xi32, #tpu.memory_space<vmem>> -> memref<1x128xi32, #tpu.memory_space<vmem>>
    %dma_wait3A_356 = tpu.memref_squeeze %dma_wait3A_355 : memref<1x128xi32, #tpu.memory_space<vmem>> -> memref<128xi32, #tpu.memory_space<vmem>>
    %dma_wait3A_357 = arith.constant 0 : i32
    %dma_wait3A_358 = arith.constant 0 : i32
    %dma_wait3A_359 = tpu.memref_slice %arg4[%dma_wait3A_357, %dma_wait3A_358] : memref<100016x8xf32, #tpu.memory_space<hbm>> -> memref<100016x8xf32, #tpu.memory_space<hbm>>
    tpu.wait_indirect_dma semaphore(%arg12 : memref<!tpu.dma_semaphore, #tpu.memory_space<semaphore_mem>>) src(%dma_wait3A_359 : memref<100016x8xf32, #tpu.memory_space<hbm>>) dst(%dma_wait3A_353 : memref<128x8xf32, #tpu.memory_space<vmem>>)
    %dma_wait3A_360 = arith.constant 1 : i32
    %dma_wait3A_361 = arith.constant 1 : i32
    %dma_wait3A_362 = arith.constant 128 : i32
    %dma_wait3A_363 = arith.constant 0 : i32
    %dma_wait3A_364 = tpu.memref_slice %arg11[%dma_wait3A_361, %dma_wait3A_362, %dma_wait3A_363] : memref<6x512x8xf32, #tpu.memory_space<vmem>> -> memref<1x128x8xf32, #tpu.memory_space<vmem>>
    %dma_wait3A_365 = tpu.memref_squeeze %dma_wait3A_364 : memref<1x128x8xf32, #tpu.memory_space<vmem>> -> memref<128x8xf32, #tpu.memory_space<vmem>>
    %dma_wait3A_366 = arith.constant 128 : i32
    %dma_wait3A_367 = tpu.memref_slice %arg10[%dma_wait3A_360, %dma_wait3A_366] : memref<6x512xi32, #tpu.memory_space<vmem>> -> memref<1x128xi32, #tpu.memory_space<vmem>>
    %dma_wait3A_368 = tpu.memref_squeeze %dma_wait3A_367 : memref<1x128xi32, #tpu.memory_space<vmem>> -> memref<128xi32, #tpu.memory_space<vmem>>
    %dma_wait3A_369 = arith.constant 0 : i32
    %dma_wait3A_370 = arith.constant 0 : i32
    %dma_wait3A_371 = tpu.memref_slice %arg4[%dma_wait3A_369, %dma_wait3A_370] : memref<100016x8xf32, #tpu.memory_space<hbm>> -> memref<100016x8xf32, #tpu.memory_space<hbm>>
    tpu.wait_indirect_dma semaphore(%arg12 : memref<!tpu.dma_semaphore, #tpu.memory_space<semaphore_mem>>) src(%dma_wait3A_371 : memref<100016x8xf32, #tpu.memory_space<hbm>>) dst(%dma_wait3A_365 : memref<128x8xf32, #tpu.memory_space<vmem>>)
    %dma_wait3A_372 = arith.constant 1 : i32
    %dma_wait3A_373 = arith.constant 1 : i32
    %dma_wait3A_374 = arith.constant 256 : i32
    %dma_wait3A_375 = arith.constant 0 : i32
    %dma_wait3A_376 = tpu.memref_slice %arg11[%dma_wait3A_373, %dma_wait3A_374, %dma_wait3A_375] : memref<6x512x8xf32, #tpu.memory_space<vmem>> -> memref<1x128x8xf32, #tpu.memory_space<vmem>>
    %dma_wait3A_377 = tpu.memref_squeeze %dma_wait3A_376 : memref<1x128x8xf32, #tpu.memory_space<vmem>> -> memref<128x8xf32, #tpu.memory_space<vmem>>
    %dma_wait3A_378 = arith.constant 256 : i32
    %dma_wait3A_379 = tpu.memref_slice %arg10[%dma_wait3A_372, %dma_wait3A_378] : memref<6x512xi32, #tpu.memory_space<vmem>> -> memref<1x128xi32, #tpu.memory_space<vmem>>
    %dma_wait3A_380 = tpu.memref_squeeze %dma_wait3A_379 : memref<1x128xi32, #tpu.memory_space<vmem>> -> memref<128xi32, #tpu.memory_space<vmem>>
    %dma_wait3A_381 = arith.constant 0 : i32
    %dma_wait3A_382 = arith.constant 0 : i32
    %dma_wait3A_383 = tpu.memref_slice %arg4[%dma_wait3A_381, %dma_wait3A_382] : memref<100016x8xf32, #tpu.memory_space<hbm>> -> memref<100016x8xf32, #tpu.memory_space<hbm>>
    tpu.wait_indirect_dma semaphore(%arg12 : memref<!tpu.dma_semaphore, #tpu.memory_space<semaphore_mem>>) src(%dma_wait3A_383 : memref<100016x8xf32, #tpu.memory_space<hbm>>) dst(%dma_wait3A_377 : memref<128x8xf32, #tpu.memory_space<vmem>>)
    %dma_wait3A_384 = arith.constant 1 : i32
    %dma_wait3A_385 = arith.constant 1 : i32
    %dma_wait3A_386 = arith.constant 384 : i32
    %dma_wait3A_387 = arith.constant 0 : i32
    %dma_wait3A_388 = tpu.memref_slice %arg11[%dma_wait3A_385, %dma_wait3A_386, %dma_wait3A_387] : memref<6x512x8xf32, #tpu.memory_space<vmem>> -> memref<1x128x8xf32, #tpu.memory_space<vmem>>
    %dma_wait3A_389 = tpu.memref_squeeze %dma_wait3A_388 : memref<1x128x8xf32, #tpu.memory_space<vmem>> -> memref<128x8xf32, #tpu.memory_space<vmem>>
    %dma_wait3A_390 = arith.constant 384 : i32
    %dma_wait3A_391 = tpu.memref_slice %arg10[%dma_wait3A_384, %dma_wait3A_390] : memref<6x512xi32, #tpu.memory_space<vmem>> -> memref<1x128xi32, #tpu.memory_space<vmem>>
    %dma_wait3A_392 = tpu.memref_squeeze %dma_wait3A_391 : memref<1x128xi32, #tpu.memory_space<vmem>> -> memref<128xi32, #tpu.memory_space<vmem>>
    %dma_wait3A_393 = arith.constant 0 : i32
    %dma_wait3A_394 = arith.constant 0 : i32
    %dma_wait3A_395 = tpu.memref_slice %arg4[%dma_wait3A_393, %dma_wait3A_394] : memref<100016x8xf32, #tpu.memory_space<hbm>> -> memref<100016x8xf32, #tpu.memory_space<hbm>>
    tpu.wait_indirect_dma semaphore(%arg12 : memref<!tpu.dma_semaphore, #tpu.memory_space<semaphore_mem>>) src(%dma_wait3A_395 : memref<100016x8xf32, #tpu.memory_space<hbm>>) dst(%dma_wait3A_389 : memref<128x8xf32, #tpu.memory_space<vmem>>)
    %dma_wait3A_396 = arith.constant 2 : i32
    %dma_wait3A_397 = arith.constant 2 : i32
    %dma_wait3A_398 = arith.constant 0 : i32
    %dma_wait3A_399 = arith.constant 0 : i32
    %dma_wait3A_400 = tpu.memref_slice %arg11[%dma_wait3A_397, %dma_wait3A_398, %dma_wait3A_399] : memref<6x512x8xf32, #tpu.memory_space<vmem>> -> memref<1x128x8xf32, #tpu.memory_space<vmem>>
    %dma_wait3A_401 = tpu.memref_squeeze %dma_wait3A_400 : memref<1x128x8xf32, #tpu.memory_space<vmem>> -> memref<128x8xf32, #tpu.memory_space<vmem>>
    %dma_wait3A_402 = arith.constant 0 : i32
    %dma_wait3A_403 = tpu.memref_slice %arg10[%dma_wait3A_396, %dma_wait3A_402] : memref<6x512xi32, #tpu.memory_space<vmem>> -> memref<1x128xi32, #tpu.memory_space<vmem>>
    %dma_wait3A_404 = tpu.memref_squeeze %dma_wait3A_403 : memref<1x128xi32, #tpu.memory_space<vmem>> -> memref<128xi32, #tpu.memory_space<vmem>>
    %dma_wait3A_405 = arith.constant 0 : i32
    %dma_wait3A_406 = arith.constant 0 : i32
    %dma_wait3A_407 = tpu.memref_slice %arg5[%dma_wait3A_405, %dma_wait3A_406] : memref<100016x8xf32, #tpu.memory_space<hbm>> -> memref<100016x8xf32, #tpu.memory_space<hbm>>
    tpu.wait_indirect_dma semaphore(%arg12 : memref<!tpu.dma_semaphore, #tpu.memory_space<semaphore_mem>>) src(%dma_wait3A_407 : memref<100016x8xf32, #tpu.memory_space<hbm>>) dst(%dma_wait3A_401 : memref<128x8xf32, #tpu.memory_space<vmem>>)
    %dma_wait3A_408 = arith.constant 2 : i32
    %dma_wait3A_409 = arith.constant 2 : i32
    %dma_wait3A_410 = arith.constant 128 : i32
    %dma_wait3A_411 = arith.constant 0 : i32
    %dma_wait3A_412 = tpu.memref_slice %arg11[%dma_wait3A_409, %dma_wait3A_410, %dma_wait3A_411] : memref<6x512x8xf32, #tpu.memory_space<vmem>> -> memref<1x128x8xf32, #tpu.memory_space<vmem>>
    %dma_wait3A_413 = tpu.memref_squeeze %dma_wait3A_412 : memref<1x128x8xf32, #tpu.memory_space<vmem>> -> memref<128x8xf32, #tpu.memory_space<vmem>>
    %dma_wait3A_414 = arith.constant 128 : i32
    %dma_wait3A_415 = tpu.memref_slice %arg10[%dma_wait3A_408, %dma_wait3A_414] : memref<6x512xi32, #tpu.memory_space<vmem>> -> memref<1x128xi32, #tpu.memory_space<vmem>>
    %dma_wait3A_416 = tpu.memref_squeeze %dma_wait3A_415 : memref<1x128xi32, #tpu.memory_space<vmem>> -> memref<128xi32, #tpu.memory_space<vmem>>
    %dma_wait3A_417 = arith.constant 0 : i32
    %dma_wait3A_418 = arith.constant 0 : i32
    %dma_wait3A_419 = tpu.memref_slice %arg5[%dma_wait3A_417, %dma_wait3A_418] : memref<100016x8xf32, #tpu.memory_space<hbm>> -> memref<100016x8xf32, #tpu.memory_space<hbm>>
    tpu.wait_indirect_dma semaphore(%arg12 : memref<!tpu.dma_semaphore, #tpu.memory_space<semaphore_mem>>) src(%dma_wait3A_419 : memref<100016x8xf32, #tpu.memory_space<hbm>>) dst(%dma_wait3A_413 : memref<128x8xf32, #tpu.memory_space<vmem>>)
    %dma_wait3A_420 = arith.constant 2 : i32
    %dma_wait3A_421 = arith.constant 2 : i32
    %dma_wait3A_422 = arith.constant 256 : i32
    %dma_wait3A_423 = arith.constant 0 : i32
    %dma_wait3A_424 = tpu.memref_slice %arg11[%dma_wait3A_421, %dma_wait3A_422, %dma_wait3A_423] : memref<6x512x8xf32, #tpu.memory_space<vmem>> -> memref<1x128x8xf32, #tpu.memory_space<vmem>>
    %dma_wait3A_425 = tpu.memref_squeeze %dma_wait3A_424 : memref<1x128x8xf32, #tpu.memory_space<vmem>> -> memref<128x8xf32, #tpu.memory_space<vmem>>
    %dma_wait3A_426 = arith.constant 256 : i32
    %dma_wait3A_427 = tpu.memref_slice %arg10[%dma_wait3A_420, %dma_wait3A_426] : memref<6x512xi32, #tpu.memory_space<vmem>> -> memref<1x128xi32, #tpu.memory_space<vmem>>
    %dma_wait3A_428 = tpu.memref_squeeze %dma_wait3A_427 : memref<1x128xi32, #tpu.memory_space<vmem>> -> memref<128xi32, #tpu.memory_space<vmem>>
    %dma_wait3A_429 = arith.constant 0 : i32
    %dma_wait3A_430 = arith.constant 0 : i32
    %dma_wait3A_431 = tpu.memref_slice %arg5[%dma_wait3A_429, %dma_wait3A_430] : memref<100016x8xf32, #tpu.memory_space<hbm>> -> memref<100016x8xf32, #tpu.memory_space<hbm>>
    tpu.wait_indirect_dma semaphore(%arg12 : memref<!tpu.dma_semaphore, #tpu.memory_space<semaphore_mem>>) src(%dma_wait3A_431 : memref<100016x8xf32, #tpu.memory_space<hbm>>) dst(%dma_wait3A_425 : memref<128x8xf32, #tpu.memory_space<vmem>>)
    %dma_wait3A_432 = arith.constant 2 : i32
    %dma_wait3A_433 = arith.constant 2 : i32
    %dma_wait3A_434 = arith.constant 384 : i32
    %dma_wait3A_435 = arith.constant 0 : i32
    %dma_wait3A_436 = tpu.memref_slice %arg11[%dma_wait3A_433, %dma_wait3A_434, %dma_wait3A_435] : memref<6x512x8xf32, #tpu.memory_space<vmem>> -> memref<1x128x8xf32, #tpu.memory_space<vmem>>
    %dma_wait3A_437 = tpu.memref_squeeze %dma_wait3A_436 : memref<1x128x8xf32, #tpu.memory_space<vmem>> -> memref<128x8xf32, #tpu.memory_space<vmem>>
    %dma_wait3A_438 = arith.constant 384 : i32
    %dma_wait3A_439 = tpu.memref_slice %arg10[%dma_wait3A_432, %dma_wait3A_438] : memref<6x512xi32, #tpu.memory_space<vmem>> -> memref<1x128xi32, #tpu.memory_space<vmem>>
    %dma_wait3A_440 = tpu.memref_squeeze %dma_wait3A_439 : memref<1x128xi32, #tpu.memory_space<vmem>> -> memref<128xi32, #tpu.memory_space<vmem>>
    %dma_wait3A_441 = arith.constant 0 : i32
    %dma_wait3A_442 = arith.constant 0 : i32
    %dma_wait3A_443 = tpu.memref_slice %arg5[%dma_wait3A_441, %dma_wait3A_442] : memref<100016x8xf32, #tpu.memory_space<hbm>> -> memref<100016x8xf32, #tpu.memory_space<hbm>>
    tpu.wait_indirect_dma semaphore(%arg12 : memref<!tpu.dma_semaphore, #tpu.memory_space<semaphore_mem>>) src(%dma_wait3A_443 : memref<100016x8xf32, #tpu.memory_space<hbm>>) dst(%dma_wait3A_437 : memref<128x8xf32, #tpu.memory_space<vmem>>)
    %dma_wait3A_444 = arith.constant 3 : i32
    %dma_wait3A_445 = arith.constant 3 : i32
    %dma_wait3A_446 = arith.constant 0 : i32
    %dma_wait3A_447 = arith.constant 0 : i32
    %dma_wait3A_448 = tpu.memref_slice %arg11[%dma_wait3A_445, %dma_wait3A_446, %dma_wait3A_447] : memref<6x512x8xf32, #tpu.memory_space<vmem>> -> memref<1x128x8xf32, #tpu.memory_space<vmem>>
    %dma_wait3A_449 = tpu.memref_squeeze %dma_wait3A_448 : memref<1x128x8xf32, #tpu.memory_space<vmem>> -> memref<128x8xf32, #tpu.memory_space<vmem>>
    %dma_wait3A_450 = arith.constant 0 : i32
    %dma_wait3A_451 = tpu.memref_slice %arg10[%dma_wait3A_444, %dma_wait3A_450] : memref<6x512xi32, #tpu.memory_space<vmem>> -> memref<1x128xi32, #tpu.memory_space<vmem>>
    %dma_wait3A_452 = tpu.memref_squeeze %dma_wait3A_451 : memref<1x128xi32, #tpu.memory_space<vmem>> -> memref<128xi32, #tpu.memory_space<vmem>>
    %dma_wait3A_453 = arith.constant 0 : i32
    %dma_wait3A_454 = arith.constant 0 : i32
    %dma_wait3A_455 = tpu.memref_slice %arg6[%dma_wait3A_453, %dma_wait3A_454] : memref<100016x8xf32, #tpu.memory_space<hbm>> -> memref<100016x8xf32, #tpu.memory_space<hbm>>
    tpu.wait_indirect_dma semaphore(%arg12 : memref<!tpu.dma_semaphore, #tpu.memory_space<semaphore_mem>>) src(%dma_wait3A_455 : memref<100016x8xf32, #tpu.memory_space<hbm>>) dst(%dma_wait3A_449 : memref<128x8xf32, #tpu.memory_space<vmem>>)
    %dma_wait3A_456 = arith.constant 3 : i32
    %dma_wait3A_457 = arith.constant 3 : i32
    %dma_wait3A_458 = arith.constant 128 : i32
    %dma_wait3A_459 = arith.constant 0 : i32
    %dma_wait3A_460 = tpu.memref_slice %arg11[%dma_wait3A_457, %dma_wait3A_458, %dma_wait3A_459] : memref<6x512x8xf32, #tpu.memory_space<vmem>> -> memref<1x128x8xf32, #tpu.memory_space<vmem>>
    %dma_wait3A_461 = tpu.memref_squeeze %dma_wait3A_460 : memref<1x128x8xf32, #tpu.memory_space<vmem>> -> memref<128x8xf32, #tpu.memory_space<vmem>>
    %dma_wait3A_462 = arith.constant 128 : i32
    %dma_wait3A_463 = tpu.memref_slice %arg10[%dma_wait3A_456, %dma_wait3A_462] : memref<6x512xi32, #tpu.memory_space<vmem>> -> memref<1x128xi32, #tpu.memory_space<vmem>>
    %dma_wait3A_464 = tpu.memref_squeeze %dma_wait3A_463 : memref<1x128xi32, #tpu.memory_space<vmem>> -> memref<128xi32, #tpu.memory_space<vmem>>
    %dma_wait3A_465 = arith.constant 0 : i32
    %dma_wait3A_466 = arith.constant 0 : i32
    %dma_wait3A_467 = tpu.memref_slice %arg6[%dma_wait3A_465, %dma_wait3A_466] : memref<100016x8xf32, #tpu.memory_space<hbm>> -> memref<100016x8xf32, #tpu.memory_space<hbm>>
    tpu.wait_indirect_dma semaphore(%arg12 : memref<!tpu.dma_semaphore, #tpu.memory_space<semaphore_mem>>) src(%dma_wait3A_467 : memref<100016x8xf32, #tpu.memory_space<hbm>>) dst(%dma_wait3A_461 : memref<128x8xf32, #tpu.memory_space<vmem>>)
    %dma_wait3A_468 = arith.constant 3 : i32
    %dma_wait3A_469 = arith.constant 3 : i32
    %dma_wait3A_470 = arith.constant 256 : i32
    %dma_wait3A_471 = arith.constant 0 : i32
    %dma_wait3A_472 = tpu.memref_slice %arg11[%dma_wait3A_469, %dma_wait3A_470, %dma_wait3A_471] : memref<6x512x8xf32, #tpu.memory_space<vmem>> -> memref<1x128x8xf32, #tpu.memory_space<vmem>>
    %dma_wait3A_473 = tpu.memref_squeeze %dma_wait3A_472 : memref<1x128x8xf32, #tpu.memory_space<vmem>> -> memref<128x8xf32, #tpu.memory_space<vmem>>
    %dma_wait3A_474 = arith.constant 256 : i32
    %dma_wait3A_475 = tpu.memref_slice %arg10[%dma_wait3A_468, %dma_wait3A_474] : memref<6x512xi32, #tpu.memory_space<vmem>> -> memref<1x128xi32, #tpu.memory_space<vmem>>
    %dma_wait3A_476 = tpu.memref_squeeze %dma_wait3A_475 : memref<1x128xi32, #tpu.memory_space<vmem>> -> memref<128xi32, #tpu.memory_space<vmem>>
    %dma_wait3A_477 = arith.constant 0 : i32
    %dma_wait3A_478 = arith.constant 0 : i32
    %dma_wait3A_479 = tpu.memref_slice %arg6[%dma_wait3A_477, %dma_wait3A_478] : memref<100016x8xf32, #tpu.memory_space<hbm>> -> memref<100016x8xf32, #tpu.memory_space<hbm>>
    tpu.wait_indirect_dma semaphore(%arg12 : memref<!tpu.dma_semaphore, #tpu.memory_space<semaphore_mem>>) src(%dma_wait3A_479 : memref<100016x8xf32, #tpu.memory_space<hbm>>) dst(%dma_wait3A_473 : memref<128x8xf32, #tpu.memory_space<vmem>>)
    %dma_wait3A_480 = arith.constant 3 : i32
    %dma_wait3A_481 = arith.constant 3 : i32
    %dma_wait3A_482 = arith.constant 384 : i32
    %dma_wait3A_483 = arith.constant 0 : i32
    %dma_wait3A_484 = tpu.memref_slice %arg11[%dma_wait3A_481, %dma_wait3A_482, %dma_wait3A_483] : memref<6x512x8xf32, #tpu.memory_space<vmem>> -> memref<1x128x8xf32, #tpu.memory_space<vmem>>
    %dma_wait3A_485 = tpu.memref_squeeze %dma_wait3A_484 : memref<1x128x8xf32, #tpu.memory_space<vmem>> -> memref<128x8xf32, #tpu.memory_space<vmem>>
    %dma_wait3A_486 = arith.constant 384 : i32
    %dma_wait3A_487 = tpu.memref_slice %arg10[%dma_wait3A_480, %dma_wait3A_486] : memref<6x512xi32, #tpu.memory_space<vmem>> -> memref<1x128xi32, #tpu.memory_space<vmem>>
    %dma_wait3A_488 = tpu.memref_squeeze %dma_wait3A_487 : memref<1x128xi32, #tpu.memory_space<vmem>> -> memref<128xi32, #tpu.memory_space<vmem>>
    %dma_wait3A_489 = arith.constant 0 : i32
    %dma_wait3A_490 = arith.constant 0 : i32
    %dma_wait3A_491 = tpu.memref_slice %arg6[%dma_wait3A_489, %dma_wait3A_490] : memref<100016x8xf32, #tpu.memory_space<hbm>> -> memref<100016x8xf32, #tpu.memory_space<hbm>>
    tpu.wait_indirect_dma semaphore(%arg12 : memref<!tpu.dma_semaphore, #tpu.memory_space<semaphore_mem>>) src(%dma_wait3A_491 : memref<100016x8xf32, #tpu.memory_space<hbm>>) dst(%dma_wait3A_485 : memref<128x8xf32, #tpu.memory_space<vmem>>)
    %dma_wait3A_492 = arith.constant 4 : i32
    %dma_wait3A_493 = arith.constant 4 : i32
    %dma_wait3A_494 = arith.constant 0 : i32
    %dma_wait3A_495 = arith.constant 0 : i32
    %dma_wait3A_496 = tpu.memref_slice %arg11[%dma_wait3A_493, %dma_wait3A_494, %dma_wait3A_495] : memref<6x512x8xf32, #tpu.memory_space<vmem>> -> memref<1x128x8xf32, #tpu.memory_space<vmem>>
    %dma_wait3A_497 = tpu.memref_squeeze %dma_wait3A_496 : memref<1x128x8xf32, #tpu.memory_space<vmem>> -> memref<128x8xf32, #tpu.memory_space<vmem>>
    %dma_wait3A_498 = arith.constant 0 : i32
    %dma_wait3A_499 = tpu.memref_slice %arg10[%dma_wait3A_492, %dma_wait3A_498] : memref<6x512xi32, #tpu.memory_space<vmem>> -> memref<1x128xi32, #tpu.memory_space<vmem>>
    %dma_wait3A_500 = tpu.memref_squeeze %dma_wait3A_499 : memref<1x128xi32, #tpu.memory_space<vmem>> -> memref<128xi32, #tpu.memory_space<vmem>>
    %dma_wait3A_501 = arith.constant 0 : i32
    %dma_wait3A_502 = arith.constant 0 : i32
    %dma_wait3A_503 = tpu.memref_slice %arg7[%dma_wait3A_501, %dma_wait3A_502] : memref<100016x8xf32, #tpu.memory_space<hbm>> -> memref<100016x8xf32, #tpu.memory_space<hbm>>
    tpu.wait_indirect_dma semaphore(%arg12 : memref<!tpu.dma_semaphore, #tpu.memory_space<semaphore_mem>>) src(%dma_wait3A_503 : memref<100016x8xf32, #tpu.memory_space<hbm>>) dst(%dma_wait3A_497 : memref<128x8xf32, #tpu.memory_space<vmem>>)
    %dma_wait3A_504 = arith.constant 4 : i32
    %dma_wait3A_505 = arith.constant 4 : i32
    %dma_wait3A_506 = arith.constant 128 : i32
    %dma_wait3A_507 = arith.constant 0 : i32
    %dma_wait3A_508 = tpu.memref_slice %arg11[%dma_wait3A_505, %dma_wait3A_506, %dma_wait3A_507] : memref<6x512x8xf32, #tpu.memory_space<vmem>> -> memref<1x128x8xf32, #tpu.memory_space<vmem>>
    %dma_wait3A_509 = tpu.memref_squeeze %dma_wait3A_508 : memref<1x128x8xf32, #tpu.memory_space<vmem>> -> memref<128x8xf32, #tpu.memory_space<vmem>>
    %dma_wait3A_510 = arith.constant 128 : i32
    %dma_wait3A_511 = tpu.memref_slice %arg10[%dma_wait3A_504, %dma_wait3A_510] : memref<6x512xi32, #tpu.memory_space<vmem>> -> memref<1x128xi32, #tpu.memory_space<vmem>>
    %dma_wait3A_512 = tpu.memref_squeeze %dma_wait3A_511 : memref<1x128xi32, #tpu.memory_space<vmem>> -> memref<128xi32, #tpu.memory_space<vmem>>
    %dma_wait3A_513 = arith.constant 0 : i32
    %dma_wait3A_514 = arith.constant 0 : i32
    %dma_wait3A_515 = tpu.memref_slice %arg7[%dma_wait3A_513, %dma_wait3A_514] : memref<100016x8xf32, #tpu.memory_space<hbm>> -> memref<100016x8xf32, #tpu.memory_space<hbm>>
    tpu.wait_indirect_dma semaphore(%arg12 : memref<!tpu.dma_semaphore, #tpu.memory_space<semaphore_mem>>) src(%dma_wait3A_515 : memref<100016x8xf32, #tpu.memory_space<hbm>>) dst(%dma_wait3A_509 : memref<128x8xf32, #tpu.memory_space<vmem>>)
    %dma_wait3A_516 = arith.constant 4 : i32
    %dma_wait3A_517 = arith.constant 4 : i32
    %dma_wait3A_518 = arith.constant 256 : i32
    %dma_wait3A_519 = arith.constant 0 : i32
    %dma_wait3A_520 = tpu.memref_slice %arg11[%dma_wait3A_517, %dma_wait3A_518, %dma_wait3A_519] : memref<6x512x8xf32, #tpu.memory_space<vmem>> -> memref<1x128x8xf32, #tpu.memory_space<vmem>>
    %dma_wait3A_521 = tpu.memref_squeeze %dma_wait3A_520 : memref<1x128x8xf32, #tpu.memory_space<vmem>> -> memref<128x8xf32, #tpu.memory_space<vmem>>
    %dma_wait3A_522 = arith.constant 256 : i32
    %dma_wait3A_523 = tpu.memref_slice %arg10[%dma_wait3A_516, %dma_wait3A_522] : memref<6x512xi32, #tpu.memory_space<vmem>> -> memref<1x128xi32, #tpu.memory_space<vmem>>
    %dma_wait3A_524 = tpu.memref_squeeze %dma_wait3A_523 : memref<1x128xi32, #tpu.memory_space<vmem>> -> memref<128xi32, #tpu.memory_space<vmem>>
    %dma_wait3A_525 = arith.constant 0 : i32
    %dma_wait3A_526 = arith.constant 0 : i32
    %dma_wait3A_527 = tpu.memref_slice %arg7[%dma_wait3A_525, %dma_wait3A_526] : memref<100016x8xf32, #tpu.memory_space<hbm>> -> memref<100016x8xf32, #tpu.memory_space<hbm>>
    tpu.wait_indirect_dma semaphore(%arg12 : memref<!tpu.dma_semaphore, #tpu.memory_space<semaphore_mem>>) src(%dma_wait3A_527 : memref<100016x8xf32, #tpu.memory_space<hbm>>) dst(%dma_wait3A_521 : memref<128x8xf32, #tpu.memory_space<vmem>>)
    %dma_wait3A_528 = arith.constant 4 : i32
    %dma_wait3A_529 = arith.constant 4 : i32
    %dma_wait3A_530 = arith.constant 384 : i32
    %dma_wait3A_531 = arith.constant 0 : i32
    %dma_wait3A_532 = tpu.memref_slice %arg11[%dma_wait3A_529, %dma_wait3A_530, %dma_wait3A_531] : memref<6x512x8xf32, #tpu.memory_space<vmem>> -> memref<1x128x8xf32, #tpu.memory_space<vmem>>
    %dma_wait3A_533 = tpu.memref_squeeze %dma_wait3A_532 : memref<1x128x8xf32, #tpu.memory_space<vmem>> -> memref<128x8xf32, #tpu.memory_space<vmem>>
    %dma_wait3A_534 = arith.constant 384 : i32
    %dma_wait3A_535 = tpu.memref_slice %arg10[%dma_wait3A_528, %dma_wait3A_534] : memref<6x512xi32, #tpu.memory_space<vmem>> -> memref<1x128xi32, #tpu.memory_space<vmem>>
    %dma_wait3A_536 = tpu.memref_squeeze %dma_wait3A_535 : memref<1x128xi32, #tpu.memory_space<vmem>> -> memref<128xi32, #tpu.memory_space<vmem>>
    %dma_wait3A_537 = arith.constant 0 : i32
    %dma_wait3A_538 = arith.constant 0 : i32
    %dma_wait3A_539 = tpu.memref_slice %arg7[%dma_wait3A_537, %dma_wait3A_538] : memref<100016x8xf32, #tpu.memory_space<hbm>> -> memref<100016x8xf32, #tpu.memory_space<hbm>>
    tpu.wait_indirect_dma semaphore(%arg12 : memref<!tpu.dma_semaphore, #tpu.memory_space<semaphore_mem>>) src(%dma_wait3A_539 : memref<100016x8xf32, #tpu.memory_space<hbm>>) dst(%dma_wait3A_533 : memref<128x8xf32, #tpu.memory_space<vmem>>)
    %dma_wait3A_540 = arith.constant 5 : i32
    %dma_wait3A_541 = arith.constant 5 : i32
    %dma_wait3A_542 = arith.constant 0 : i32
    %dma_wait3A_543 = arith.constant 0 : i32
    %dma_wait3A_544 = tpu.memref_slice %arg11[%dma_wait3A_541, %dma_wait3A_542, %dma_wait3A_543] : memref<6x512x8xf32, #tpu.memory_space<vmem>> -> memref<1x128x8xf32, #tpu.memory_space<vmem>>
    %dma_wait3A_545 = tpu.memref_squeeze %dma_wait3A_544 : memref<1x128x8xf32, #tpu.memory_space<vmem>> -> memref<128x8xf32, #tpu.memory_space<vmem>>
    %dma_wait3A_546 = arith.constant 0 : i32
    %dma_wait3A_547 = tpu.memref_slice %arg10[%dma_wait3A_540, %dma_wait3A_546] : memref<6x512xi32, #tpu.memory_space<vmem>> -> memref<1x128xi32, #tpu.memory_space<vmem>>
    %dma_wait3A_548 = tpu.memref_squeeze %dma_wait3A_547 : memref<1x128xi32, #tpu.memory_space<vmem>> -> memref<128xi32, #tpu.memory_space<vmem>>
    %dma_wait3A_549 = arith.constant 0 : i32
    %dma_wait3A_550 = arith.constant 0 : i32
    %dma_wait3A_551 = tpu.memref_slice %arg8[%dma_wait3A_549, %dma_wait3A_550] : memref<100016x8xf32, #tpu.memory_space<hbm>> -> memref<100016x8xf32, #tpu.memory_space<hbm>>
    tpu.wait_indirect_dma semaphore(%arg12 : memref<!tpu.dma_semaphore, #tpu.memory_space<semaphore_mem>>) src(%dma_wait3A_551 : memref<100016x8xf32, #tpu.memory_space<hbm>>) dst(%dma_wait3A_545 : memref<128x8xf32, #tpu.memory_space<vmem>>)
    %dma_wait3A_552 = arith.constant 5 : i32
    %dma_wait3A_553 = arith.constant 5 : i32
    %dma_wait3A_554 = arith.constant 128 : i32
    %dma_wait3A_555 = arith.constant 0 : i32
    %dma_wait3A_556 = tpu.memref_slice %arg11[%dma_wait3A_553, %dma_wait3A_554, %dma_wait3A_555] : memref<6x512x8xf32, #tpu.memory_space<vmem>> -> memref<1x128x8xf32, #tpu.memory_space<vmem>>
    %dma_wait3A_557 = tpu.memref_squeeze %dma_wait3A_556 : memref<1x128x8xf32, #tpu.memory_space<vmem>> -> memref<128x8xf32, #tpu.memory_space<vmem>>
    %dma_wait3A_558 = arith.constant 128 : i32
    %dma_wait3A_559 = tpu.memref_slice %arg10[%dma_wait3A_552, %dma_wait3A_558] : memref<6x512xi32, #tpu.memory_space<vmem>> -> memref<1x128xi32, #tpu.memory_space<vmem>>
    %dma_wait3A_560 = tpu.memref_squeeze %dma_wait3A_559 : memref<1x128xi32, #tpu.memory_space<vmem>> -> memref<128xi32, #tpu.memory_space<vmem>>
    %dma_wait3A_561 = arith.constant 0 : i32
    %dma_wait3A_562 = arith.constant 0 : i32
    %dma_wait3A_563 = tpu.memref_slice %arg8[%dma_wait3A_561, %dma_wait3A_562] : memref<100016x8xf32, #tpu.memory_space<hbm>> -> memref<100016x8xf32, #tpu.memory_space<hbm>>
    tpu.wait_indirect_dma semaphore(%arg12 : memref<!tpu.dma_semaphore, #tpu.memory_space<semaphore_mem>>) src(%dma_wait3A_563 : memref<100016x8xf32, #tpu.memory_space<hbm>>) dst(%dma_wait3A_557 : memref<128x8xf32, #tpu.memory_space<vmem>>)
    %dma_wait3A_564 = arith.constant 5 : i32
    %dma_wait3A_565 = arith.constant 5 : i32
    %dma_wait3A_566 = arith.constant 256 : i32
    %dma_wait3A_567 = arith.constant 0 : i32
    %dma_wait3A_568 = tpu.memref_slice %arg11[%dma_wait3A_565, %dma_wait3A_566, %dma_wait3A_567] : memref<6x512x8xf32, #tpu.memory_space<vmem>> -> memref<1x128x8xf32, #tpu.memory_space<vmem>>
    %dma_wait3A_569 = tpu.memref_squeeze %dma_wait3A_568 : memref<1x128x8xf32, #tpu.memory_space<vmem>> -> memref<128x8xf32, #tpu.memory_space<vmem>>
    %dma_wait3A_570 = arith.constant 256 : i32
    %dma_wait3A_571 = tpu.memref_slice %arg10[%dma_wait3A_564, %dma_wait3A_570] : memref<6x512xi32, #tpu.memory_space<vmem>> -> memref<1x128xi32, #tpu.memory_space<vmem>>
    %dma_wait3A_572 = tpu.memref_squeeze %dma_wait3A_571 : memref<1x128xi32, #tpu.memory_space<vmem>> -> memref<128xi32, #tpu.memory_space<vmem>>
    %dma_wait3A_573 = arith.constant 0 : i32
    %dma_wait3A_574 = arith.constant 0 : i32
    %dma_wait3A_575 = tpu.memref_slice %arg8[%dma_wait3A_573, %dma_wait3A_574] : memref<100016x8xf32, #tpu.memory_space<hbm>> -> memref<100016x8xf32, #tpu.memory_space<hbm>>
    tpu.wait_indirect_dma semaphore(%arg12 : memref<!tpu.dma_semaphore, #tpu.memory_space<semaphore_mem>>) src(%dma_wait3A_575 : memref<100016x8xf32, #tpu.memory_space<hbm>>) dst(%dma_wait3A_569 : memref<128x8xf32, #tpu.memory_space<vmem>>)
    %dma_wait3A_576 = arith.constant 5 : i32
    %dma_wait3A_577 = arith.constant 5 : i32
    %dma_wait3A_578 = arith.constant 384 : i32
    %dma_wait3A_579 = arith.constant 0 : i32
    %dma_wait3A_580 = tpu.memref_slice %arg11[%dma_wait3A_577, %dma_wait3A_578, %dma_wait3A_579] : memref<6x512x8xf32, #tpu.memory_space<vmem>> -> memref<1x128x8xf32, #tpu.memory_space<vmem>>
    %dma_wait3A_581 = tpu.memref_squeeze %dma_wait3A_580 : memref<1x128x8xf32, #tpu.memory_space<vmem>> -> memref<128x8xf32, #tpu.memory_space<vmem>>
    %dma_wait3A_582 = arith.constant 384 : i32
    %dma_wait3A_583 = tpu.memref_slice %arg10[%dma_wait3A_576, %dma_wait3A_582] : memref<6x512xi32, #tpu.memory_space<vmem>> -> memref<1x128xi32, #tpu.memory_space<vmem>>
    %dma_wait3A_584 = tpu.memref_squeeze %dma_wait3A_583 : memref<1x128xi32, #tpu.memory_space<vmem>> -> memref<128xi32, #tpu.memory_space<vmem>>
    %dma_wait3A_585 = arith.constant 0 : i32
    %dma_wait3A_586 = arith.constant 0 : i32
    %dma_wait3A_587 = tpu.memref_slice %arg8[%dma_wait3A_585, %dma_wait3A_586] : memref<100016x8xf32, #tpu.memory_space<hbm>> -> memref<100016x8xf32, #tpu.memory_space<hbm>>
    tpu.wait_indirect_dma semaphore(%arg12 : memref<!tpu.dma_semaphore, #tpu.memory_space<semaphore_mem>>) src(%dma_wait3A_587 : memref<100016x8xf32, #tpu.memory_space<hbm>>) dst(%dma_wait3A_581 : memref<128x8xf32, #tpu.memory_space<vmem>>)
    %run_scoped3A_588 = arith.constant 0 : i32
    "tpu.region"() ({
      %run_scoped3A_594 = tpu.sem_alloc : memref<!tpu.dma_semaphore, #tpu.memory_space<semaphore_mem>>
      %dma_start3A_595 = arith.constant 0 : i32
      %dma_start3A_596 = arith.constant 0 : i32
      %dma_start3A_597 = tpu.memref_slice %arg11[%run_scoped3A_588, %dma_start3A_595, %dma_start3A_596] : memref<6x512x8xf32, #tpu.memory_space<vmem>> -> memref<1x512x8xf32, #tpu.memory_space<vmem>>
      %dma_start3A_598 = tpu.memref_squeeze %dma_start3A_597 : memref<1x512x8xf32, #tpu.memory_space<vmem>> -> memref<512x8xf32, #tpu.memory_space<vmem>>
      %dma_start3A_599 = arith.constant 0 : i32
      %dma_start3A_600 = tpu.memref_slice %arg9[%mul3A_2, %dma_start3A_599] : memref<16384x128xf32, #tpu.memory_space<hbm>> -> memref<512x8xf32, #tpu.memory_space<hbm>>
      %dma_start3A_601 = arith.constant 0 : i32
      %dma_start3A_602 = tpu.memref_slice %arg9[%mul3A_2, %dma_start3A_601] : memref<16384x128xf32, #tpu.memory_space<hbm>> -> memref<512x8xf32, #tpu.memory_space<hbm>>
      %dma_start3A_603 = arith.constant 0 : i32
      %dma_start3A_604 = arith.constant 0 : i32
      %dma_start3A_605 = tpu.memref_slice %arg11[%run_scoped3A_588, %dma_start3A_603, %dma_start3A_604] : memref<6x512x8xf32, #tpu.memory_space<vmem>> -> memref<1x512x8xf32, #tpu.memory_space<vmem>>
      %dma_start3A_606 = tpu.memref_squeeze %dma_start3A_605 : memref<1x512x8xf32, #tpu.memory_space<vmem>> -> memref<512x8xf32, #tpu.memory_space<vmem>>
      tpu.enqueue_dma source(%dma_start3A_606 : memref<512x8xf32, #tpu.memory_space<vmem>>) target(%dma_start3A_602 : memref<512x8xf32, #tpu.memory_space<hbm>>) target_semaphore(%run_scoped3A_594 : memref<!tpu.dma_semaphore, #tpu.memory_space<semaphore_mem>>)
      %dma_wait3A_607 = arith.constant 0 : i32
      %dma_wait3A_608 = arith.constant 0 : i32
      %dma_wait3A_609 = tpu.memref_slice %arg11[%run_scoped3A_588, %dma_wait3A_607, %dma_wait3A_608] : memref<6x512x8xf32, #tpu.memory_space<vmem>> -> memref<1x512x8xf32, #tpu.memory_space<vmem>>
      %dma_wait3A_610 = tpu.memref_squeeze %dma_wait3A_609 : memref<1x512x8xf32, #tpu.memory_space<vmem>> -> memref<512x8xf32, #tpu.memory_space<vmem>>
      %dma_wait3A_611 = arith.constant 0 : i32
      %dma_wait3A_612 = tpu.memref_slice %arg9[%mul3A_2, %dma_wait3A_611] : memref<16384x128xf32, #tpu.memory_space<hbm>> -> memref<512x8xf32, #tpu.memory_space<hbm>>
      %dma_wait3A_613 = arith.constant 0 : i32
      %dma_wait3A_614 = tpu.memref_slice %arg9[%mul3A_2, %dma_wait3A_613] : memref<16384x128xf32, #tpu.memory_space<hbm>> -> memref<512x8xf32, #tpu.memory_space<hbm>>
      %dma_wait3A_615 = arith.constant 0 : i32
      %dma_wait3A_616 = arith.constant 0 : i32
      %dma_wait3A_617 = tpu.memref_slice %arg11[%run_scoped3A_588, %dma_wait3A_615, %dma_wait3A_616] : memref<6x512x8xf32, #tpu.memory_space<vmem>> -> memref<1x512x8xf32, #tpu.memory_space<vmem>>
      %dma_wait3A_618 = tpu.memref_squeeze %dma_wait3A_617 : memref<1x512x8xf32, #tpu.memory_space<vmem>> -> memref<512x8xf32, #tpu.memory_space<vmem>>
      tpu.wait_dma2 semaphore(%run_scoped3A_594 : memref<!tpu.dma_semaphore, #tpu.memory_space<semaphore_mem>>) src(%dma_wait3A_618 : memref<512x8xf32, #tpu.memory_space<vmem>>) dst(%dma_wait3A_614 : memref<512x8xf32, #tpu.memory_space<hbm>>)
      tpu.yield
    }) : () -> ()
    %run_scoped3A_589 = arith.constant 1 : i32
    "tpu.region"() ({
      %run_scoped3A_594 = tpu.sem_alloc : memref<!tpu.dma_semaphore, #tpu.memory_space<semaphore_mem>>
      %dma_start3A_595 = arith.constant 0 : i32
      %dma_start3A_596 = arith.constant 0 : i32
      %dma_start3A_597 = tpu.memref_slice %arg11[%run_scoped3A_589, %dma_start3A_595, %dma_start3A_596] : memref<6x512x8xf32, #tpu.memory_space<vmem>> -> memref<1x512x8xf32, #tpu.memory_space<vmem>>
      %dma_start3A_598 = tpu.memref_squeeze %dma_start3A_597 : memref<1x512x8xf32, #tpu.memory_space<vmem>> -> memref<512x8xf32, #tpu.memory_space<vmem>>
      %dma_start3A_599 = arith.constant 8 : i32
      %dma_start3A_600 = tpu.memref_slice %arg9[%mul3A_2, %dma_start3A_599] : memref<16384x128xf32, #tpu.memory_space<hbm>> -> memref<512x8xf32, #tpu.memory_space<hbm>>
      %dma_start3A_601 = arith.constant 8 : i32
      %dma_start3A_602 = tpu.memref_slice %arg9[%mul3A_2, %dma_start3A_601] : memref<16384x128xf32, #tpu.memory_space<hbm>> -> memref<512x8xf32, #tpu.memory_space<hbm>>
      %dma_start3A_603 = arith.constant 0 : i32
      %dma_start3A_604 = arith.constant 0 : i32
      %dma_start3A_605 = tpu.memref_slice %arg11[%run_scoped3A_589, %dma_start3A_603, %dma_start3A_604] : memref<6x512x8xf32, #tpu.memory_space<vmem>> -> memref<1x512x8xf32, #tpu.memory_space<vmem>>
      %dma_start3A_606 = tpu.memref_squeeze %dma_start3A_605 : memref<1x512x8xf32, #tpu.memory_space<vmem>> -> memref<512x8xf32, #tpu.memory_space<vmem>>
      tpu.enqueue_dma source(%dma_start3A_606 : memref<512x8xf32, #tpu.memory_space<vmem>>) target(%dma_start3A_602 : memref<512x8xf32, #tpu.memory_space<hbm>>) target_semaphore(%run_scoped3A_594 : memref<!tpu.dma_semaphore, #tpu.memory_space<semaphore_mem>>)
      %dma_wait3A_607 = arith.constant 0 : i32
      %dma_wait3A_608 = arith.constant 0 : i32
      %dma_wait3A_609 = tpu.memref_slice %arg11[%run_scoped3A_589, %dma_wait3A_607, %dma_wait3A_608] : memref<6x512x8xf32, #tpu.memory_space<vmem>> -> memref<1x512x8xf32, #tpu.memory_space<vmem>>
      %dma_wait3A_610 = tpu.memref_squeeze %dma_wait3A_609 : memref<1x512x8xf32, #tpu.memory_space<vmem>> -> memref<512x8xf32, #tpu.memory_space<vmem>>
      %dma_wait3A_611 = arith.constant 8 : i32
      %dma_wait3A_612 = tpu.memref_slice %arg9[%mul3A_2, %dma_wait3A_611] : memref<16384x128xf32, #tpu.memory_space<hbm>> -> memref<512x8xf32, #tpu.memory_space<hbm>>
      %dma_wait3A_613 = arith.constant 8 : i32
      %dma_wait3A_614 = tpu.memref_slice %arg9[%mul3A_2, %dma_wait3A_613] : memref<16384x128xf32, #tpu.memory_space<hbm>> -> memref<512x8xf32, #tpu.memory_space<hbm>>
      %dma_wait3A_615 = arith.constant 0 : i32
      %dma_wait3A_616 = arith.constant 0 : i32
      %dma_wait3A_617 = tpu.memref_slice %arg11[%run_scoped3A_589, %dma_wait3A_615, %dma_wait3A_616] : memref<6x512x8xf32, #tpu.memory_space<vmem>> -> memref<1x512x8xf32, #tpu.memory_space<vmem>>
      %dma_wait3A_618 = tpu.memref_squeeze %dma_wait3A_617 : memref<1x512x8xf32, #tpu.memory_space<vmem>> -> memref<512x8xf32, #tpu.memory_space<vmem>>
      tpu.wait_dma2 semaphore(%run_scoped3A_594 : memref<!tpu.dma_semaphore, #tpu.memory_space<semaphore_mem>>) src(%dma_wait3A_618 : memref<512x8xf32, #tpu.memory_space<vmem>>) dst(%dma_wait3A_614 : memref<512x8xf32, #tpu.memory_space<hbm>>)
      tpu.yield
    }) : () -> ()
    %run_scoped3A_590 = arith.constant 2 : i32
    "tpu.region"() ({
      %run_scoped3A_594 = tpu.sem_alloc : memref<!tpu.dma_semaphore, #tpu.memory_space<semaphore_mem>>
      %dma_start3A_595 = arith.constant 0 : i32
      %dma_start3A_596 = arith.constant 0 : i32
      %dma_start3A_597 = tpu.memref_slice %arg11[%run_scoped3A_590, %dma_start3A_595, %dma_start3A_596] : memref<6x512x8xf32, #tpu.memory_space<vmem>> -> memref<1x512x8xf32, #tpu.memory_space<vmem>>
      %dma_start3A_598 = tpu.memref_squeeze %dma_start3A_597 : memref<1x512x8xf32, #tpu.memory_space<vmem>> -> memref<512x8xf32, #tpu.memory_space<vmem>>
      %dma_start3A_599 = arith.constant 16 : i32
      %dma_start3A_600 = tpu.memref_slice %arg9[%mul3A_2, %dma_start3A_599] : memref<16384x128xf32, #tpu.memory_space<hbm>> -> memref<512x8xf32, #tpu.memory_space<hbm>>
      %dma_start3A_601 = arith.constant 16 : i32
      %dma_start3A_602 = tpu.memref_slice %arg9[%mul3A_2, %dma_start3A_601] : memref<16384x128xf32, #tpu.memory_space<hbm>> -> memref<512x8xf32, #tpu.memory_space<hbm>>
      %dma_start3A_603 = arith.constant 0 : i32
      %dma_start3A_604 = arith.constant 0 : i32
      %dma_start3A_605 = tpu.memref_slice %arg11[%run_scoped3A_590, %dma_start3A_603, %dma_start3A_604] : memref<6x512x8xf32, #tpu.memory_space<vmem>> -> memref<1x512x8xf32, #tpu.memory_space<vmem>>
      %dma_start3A_606 = tpu.memref_squeeze %dma_start3A_605 : memref<1x512x8xf32, #tpu.memory_space<vmem>> -> memref<512x8xf32, #tpu.memory_space<vmem>>
      tpu.enqueue_dma source(%dma_start3A_606 : memref<512x8xf32, #tpu.memory_space<vmem>>) target(%dma_start3A_602 : memref<512x8xf32, #tpu.memory_space<hbm>>) target_semaphore(%run_scoped3A_594 : memref<!tpu.dma_semaphore, #tpu.memory_space<semaphore_mem>>)
      %dma_wait3A_607 = arith.constant 0 : i32
      %dma_wait3A_608 = arith.constant 0 : i32
      %dma_wait3A_609 = tpu.memref_slice %arg11[%run_scoped3A_590, %dma_wait3A_607, %dma_wait3A_608] : memref<6x512x8xf32, #tpu.memory_space<vmem>> -> memref<1x512x8xf32, #tpu.memory_space<vmem>>
      %dma_wait3A_610 = tpu.memref_squeeze %dma_wait3A_609 : memref<1x512x8xf32, #tpu.memory_space<vmem>> -> memref<512x8xf32, #tpu.memory_space<vmem>>
      %dma_wait3A_611 = arith.constant 16 : i32
      %dma_wait3A_612 = tpu.memref_slice %arg9[%mul3A_2, %dma_wait3A_611] : memref<16384x128xf32, #tpu.memory_space<hbm>> -> memref<512x8xf32, #tpu.memory_space<hbm>>
      %dma_wait3A_613 = arith.constant 16 : i32
      %dma_wait3A_614 = tpu.memref_slice %arg9[%mul3A_2, %dma_wait3A_613] : memref<16384x128xf32, #tpu.memory_space<hbm>> -> memref<512x8xf32, #tpu.memory_space<hbm>>
      %dma_wait3A_615 = arith.constant 0 : i32
      %dma_wait3A_616 = arith.constant 0 : i32
      %dma_wait3A_617 = tpu.memref_slice %arg11[%run_scoped3A_590, %dma_wait3A_615, %dma_wait3A_616] : memref<6x512x8xf32, #tpu.memory_space<vmem>> -> memref<1x512x8xf32, #tpu.memory_space<vmem>>
      %dma_wait3A_618 = tpu.memref_squeeze %dma_wait3A_617 : memref<1x512x8xf32, #tpu.memory_space<vmem>> -> memref<512x8xf32, #tpu.memory_space<vmem>>
      tpu.wait_dma2 semaphore(%run_scoped3A_594 : memref<!tpu.dma_semaphore, #tpu.memory_space<semaphore_mem>>) src(%dma_wait3A_618 : memref<512x8xf32, #tpu.memory_space<vmem>>) dst(%dma_wait3A_614 : memref<512x8xf32, #tpu.memory_space<hbm>>)
      tpu.yield
    }) : () -> ()
    %run_scoped3A_591 = arith.constant 3 : i32
    "tpu.region"() ({
      %run_scoped3A_594 = tpu.sem_alloc : memref<!tpu.dma_semaphore, #tpu.memory_space<semaphore_mem>>
      %dma_start3A_595 = arith.constant 0 : i32
      %dma_start3A_596 = arith.constant 0 : i32
      %dma_start3A_597 = tpu.memref_slice %arg11[%run_scoped3A_591, %dma_start3A_595, %dma_start3A_596] : memref<6x512x8xf32, #tpu.memory_space<vmem>> -> memref<1x512x8xf32, #tpu.memory_space<vmem>>
      %dma_start3A_598 = tpu.memref_squeeze %dma_start3A_597 : memref<1x512x8xf32, #tpu.memory_space<vmem>> -> memref<512x8xf32, #tpu.memory_space<vmem>>
      %dma_start3A_599 = arith.constant 24 : i32
      %dma_start3A_600 = tpu.memref_slice %arg9[%mul3A_2, %dma_start3A_599] : memref<16384x128xf32, #tpu.memory_space<hbm>> -> memref<512x8xf32, #tpu.memory_space<hbm>>
      %dma_start3A_601 = arith.constant 24 : i32
      %dma_start3A_602 = tpu.memref_slice %arg9[%mul3A_2, %dma_start3A_601] : memref<16384x128xf32, #tpu.memory_space<hbm>> -> memref<512x8xf32, #tpu.memory_space<hbm>>
      %dma_start3A_603 = arith.constant 0 : i32
      %dma_start3A_604 = arith.constant 0 : i32
      %dma_start3A_605 = tpu.memref_slice %arg11[%run_scoped3A_591, %dma_start3A_603, %dma_start3A_604] : memref<6x512x8xf32, #tpu.memory_space<vmem>> -> memref<1x512x8xf32, #tpu.memory_space<vmem>>
      %dma_start3A_606 = tpu.memref_squeeze %dma_start3A_605 : memref<1x512x8xf32, #tpu.memory_space<vmem>> -> memref<512x8xf32, #tpu.memory_space<vmem>>
      tpu.enqueue_dma source(%dma_start3A_606 : memref<512x8xf32, #tpu.memory_space<vmem>>) target(%dma_start3A_602 : memref<512x8xf32, #tpu.memory_space<hbm>>) target_semaphore(%run_scoped3A_594 : memref<!tpu.dma_semaphore, #tpu.memory_space<semaphore_mem>>)
      %dma_wait3A_607 = arith.constant 0 : i32
      %dma_wait3A_608 = arith.constant 0 : i32
      %dma_wait3A_609 = tpu.memref_slice %arg11[%run_scoped3A_591, %dma_wait3A_607, %dma_wait3A_608] : memref<6x512x8xf32, #tpu.memory_space<vmem>> -> memref<1x512x8xf32, #tpu.memory_space<vmem>>
      %dma_wait3A_610 = tpu.memref_squeeze %dma_wait3A_609 : memref<1x512x8xf32, #tpu.memory_space<vmem>> -> memref<512x8xf32, #tpu.memory_space<vmem>>
      %dma_wait3A_611 = arith.constant 24 : i32
      %dma_wait3A_612 = tpu.memref_slice %arg9[%mul3A_2, %dma_wait3A_611] : memref<16384x128xf32, #tpu.memory_space<hbm>> -> memref<512x8xf32, #tpu.memory_space<hbm>>
      %dma_wait3A_613 = arith.constant 24 : i32
      %dma_wait3A_614 = tpu.memref_slice %arg9[%mul3A_2, %dma_wait3A_613] : memref<16384x128xf32, #tpu.memory_space<hbm>> -> memref<512x8xf32, #tpu.memory_space<hbm>>
      %dma_wait3A_615 = arith.constant 0 : i32
      %dma_wait3A_616 = arith.constant 0 : i32
      %dma_wait3A_617 = tpu.memref_slice %arg11[%run_scoped3A_591, %dma_wait3A_615, %dma_wait3A_616] : memref<6x512x8xf32, #tpu.memory_space<vmem>> -> memref<1x512x8xf32, #tpu.memory_space<vmem>>
      %dma_wait3A_618 = tpu.memref_squeeze %dma_wait3A_617 : memref<1x512x8xf32, #tpu.memory_space<vmem>> -> memref<512x8xf32, #tpu.memory_space<vmem>>
      tpu.wait_dma2 semaphore(%run_scoped3A_594 : memref<!tpu.dma_semaphore, #tpu.memory_space<semaphore_mem>>) src(%dma_wait3A_618 : memref<512x8xf32, #tpu.memory_space<vmem>>) dst(%dma_wait3A_614 : memref<512x8xf32, #tpu.memory_space<hbm>>)
      tpu.yield
    }) : () -> ()
    %run_scoped3A_592 = arith.constant 4 : i32
    "tpu.region"() ({
      %run_scoped3A_594 = tpu.sem_alloc : memref<!tpu.dma_semaphore, #tpu.memory_space<semaphore_mem>>
      %dma_start3A_595 = arith.constant 0 : i32
      %dma_start3A_596 = arith.constant 0 : i32
      %dma_start3A_597 = tpu.memref_slice %arg11[%run_scoped3A_592, %dma_start3A_595, %dma_start3A_596] : memref<6x512x8xf32, #tpu.memory_space<vmem>> -> memref<1x512x8xf32, #tpu.memory_space<vmem>>
      %dma_start3A_598 = tpu.memref_squeeze %dma_start3A_597 : memref<1x512x8xf32, #tpu.memory_space<vmem>> -> memref<512x8xf32, #tpu.memory_space<vmem>>
      %dma_start3A_599 = arith.constant 32 : i32
      %dma_start3A_600 = tpu.memref_slice %arg9[%mul3A_2, %dma_start3A_599] : memref<16384x128xf32, #tpu.memory_space<hbm>> -> memref<512x8xf32, #tpu.memory_space<hbm>>
      %dma_start3A_601 = arith.constant 32 : i32
      %dma_start3A_602 = tpu.memref_slice %arg9[%mul3A_2, %dma_start3A_601] : memref<16384x128xf32, #tpu.memory_space<hbm>> -> memref<512x8xf32, #tpu.memory_space<hbm>>
      %dma_start3A_603 = arith.constant 0 : i32
      %dma_start3A_604 = arith.constant 0 : i32
      %dma_start3A_605 = tpu.memref_slice %arg11[%run_scoped3A_592, %dma_start3A_603, %dma_start3A_604] : memref<6x512x8xf32, #tpu.memory_space<vmem>> -> memref<1x512x8xf32, #tpu.memory_space<vmem>>
      %dma_start3A_606 = tpu.memref_squeeze %dma_start3A_605 : memref<1x512x8xf32, #tpu.memory_space<vmem>> -> memref<512x8xf32, #tpu.memory_space<vmem>>
      tpu.enqueue_dma source(%dma_start3A_606 : memref<512x8xf32, #tpu.memory_space<vmem>>) target(%dma_start3A_602 : memref<512x8xf32, #tpu.memory_space<hbm>>) target_semaphore(%run_scoped3A_594 : memref<!tpu.dma_semaphore, #tpu.memory_space<semaphore_mem>>)
      %dma_wait3A_607 = arith.constant 0 : i32
      %dma_wait3A_608 = arith.constant 0 : i32
      %dma_wait3A_609 = tpu.memref_slice %arg11[%run_scoped3A_592, %dma_wait3A_607, %dma_wait3A_608] : memref<6x512x8xf32, #tpu.memory_space<vmem>> -> memref<1x512x8xf32, #tpu.memory_space<vmem>>
      %dma_wait3A_610 = tpu.memref_squeeze %dma_wait3A_609 : memref<1x512x8xf32, #tpu.memory_space<vmem>> -> memref<512x8xf32, #tpu.memory_space<vmem>>
      %dma_wait3A_611 = arith.constant 32 : i32
      %dma_wait3A_612 = tpu.memref_slice %arg9[%mul3A_2, %dma_wait3A_611] : memref<16384x128xf32, #tpu.memory_space<hbm>> -> memref<512x8xf32, #tpu.memory_space<hbm>>
      %dma_wait3A_613 = arith.constant 32 : i32
      %dma_wait3A_614 = tpu.memref_slice %arg9[%mul3A_2, %dma_wait3A_613] : memref<16384x128xf32, #tpu.memory_space<hbm>> -> memref<512x8xf32, #tpu.memory_space<hbm>>
      %dma_wait3A_615 = arith.constant 0 : i32
      %dma_wait3A_616 = arith.constant 0 : i32
      %dma_wait3A_617 = tpu.memref_slice %arg11[%run_scoped3A_592, %dma_wait3A_615, %dma_wait3A_616] : memref<6x512x8xf32, #tpu.memory_space<vmem>> -> memref<1x512x8xf32, #tpu.memory_space<vmem>>
      %dma_wait3A_618 = tpu.memref_squeeze %dma_wait3A_617 : memref<1x512x8xf32, #tpu.memory_space<vmem>> -> memref<512x8xf32, #tpu.memory_space<vmem>>
      tpu.wait_dma2 semaphore(%run_scoped3A_594 : memref<!tpu.dma_semaphore, #tpu.memory_space<semaphore_mem>>) src(%dma_wait3A_618 : memref<512x8xf32, #tpu.memory_space<vmem>>) dst(%dma_wait3A_614 : memref<512x8xf32, #tpu.memory_space<hbm>>)
      tpu.yield
    }) : () -> ()
    %run_scoped3A_593 = arith.constant 5 : i32
    "tpu.region"() ({
      %run_scoped3A_594 = tpu.sem_alloc : memref<!tpu.dma_semaphore, #tpu.memory_space<semaphore_mem>>
      %dma_start3A_595 = arith.constant 0 : i32
      %dma_start3A_596 = arith.constant 0 : i32
      %dma_start3A_597 = tpu.memref_slice %arg11[%run_scoped3A_593, %dma_start3A_595, %dma_start3A_596] : memref<6x512x8xf32, #tpu.memory_space<vmem>> -> memref<1x512x8xf32, #tpu.memory_space<vmem>>
      %dma_start3A_598 = tpu.memref_squeeze %dma_start3A_597 : memref<1x512x8xf32, #tpu.memory_space<vmem>> -> memref<512x8xf32, #tpu.memory_space<vmem>>
      %dma_start3A_599 = arith.constant 40 : i32
      %dma_start3A_600 = tpu.memref_slice %arg9[%mul3A_2, %dma_start3A_599] : memref<16384x128xf32, #tpu.memory_space<hbm>> -> memref<512x8xf32, #tpu.memory_space<hbm>>
      %dma_start3A_601 = arith.constant 40 : i32
      %dma_start3A_602 = tpu.memref_slice %arg9[%mul3A_2, %dma_start3A_601] : memref<16384x128xf32, #tpu.memory_space<hbm>> -> memref<512x8xf32, #tpu.memory_space<hbm>>
      %dma_start3A_603 = arith.constant 0 : i32
      %dma_start3A_604 = arith.constant 0 : i32
      %dma_start3A_605 = tpu.memref_slice %arg11[%run_scoped3A_593, %dma_start3A_603, %dma_start3A_604] : memref<6x512x8xf32, #tpu.memory_space<vmem>> -> memref<1x512x8xf32, #tpu.memory_space<vmem>>
      %dma_start3A_606 = tpu.memref_squeeze %dma_start3A_605 : memref<1x512x8xf32, #tpu.memory_space<vmem>> -> memref<512x8xf32, #tpu.memory_space<vmem>>
      tpu.enqueue_dma source(%dma_start3A_606 : memref<512x8xf32, #tpu.memory_space<vmem>>) target(%dma_start3A_602 : memref<512x8xf32, #tpu.memory_space<hbm>>) target_semaphore(%run_scoped3A_594 : memref<!tpu.dma_semaphore, #tpu.memory_space<semaphore_mem>>)
      %dma_wait3A_607 = arith.constant 0 : i32
      %dma_wait3A_608 = arith.constant 0 : i32
      %dma_wait3A_609 = tpu.memref_slice %arg11[%run_scoped3A_593, %dma_wait3A_607, %dma_wait3A_608] : memref<6x512x8xf32, #tpu.memory_space<vmem>> -> memref<1x512x8xf32, #tpu.memory_space<vmem>>
      %dma_wait3A_610 = tpu.memref_squeeze %dma_wait3A_609 : memref<1x512x8xf32, #tpu.memory_space<vmem>> -> memref<512x8xf32, #tpu.memory_space<vmem>>
      %dma_wait3A_611 = arith.constant 40 : i32
      %dma_wait3A_612 = tpu.memref_slice %arg9[%mul3A_2, %dma_wait3A_611] : memref<16384x128xf32, #tpu.memory_space<hbm>> -> memref<512x8xf32, #tpu.memory_space<hbm>>
      %dma_wait3A_613 = arith.constant 40 : i32
      %dma_wait3A_614 = tpu.memref_slice %arg9[%mul3A_2, %dma_wait3A_613] : memref<16384x128xf32, #tpu.memory_space<hbm>> -> memref<512x8xf32, #tpu.memory_space<hbm>>
      %dma_wait3A_615 = arith.constant 0 : i32
      %dma_wait3A_616 = arith.constant 0 : i32
      %dma_wait3A_617 = tpu.memref_slice %arg11[%run_scoped3A_593, %dma_wait3A_615, %dma_wait3A_616] : memref<6x512x8xf32, #tpu.memory_space<vmem>> -> memref<1x512x8xf32, #tpu.memory_space<vmem>>
      %dma_wait3A_618 = tpu.memref_squeeze %dma_wait3A_617 : memref<1x512x8xf32, #tpu.memory_space<vmem>> -> memref<512x8xf32, #tpu.memory_space<vmem>>
      tpu.wait_dma2 semaphore(%run_scoped3A_594 : memref<!tpu.dma_semaphore, #tpu.memory_space<semaphore_mem>>) src(%dma_wait3A_618 : memref<512x8xf32, #tpu.memory_space<vmem>>) dst(%dma_wait3A_614 : memref<512x8xf32, #tpu.memory_space<hbm>>)
      tpu.yield
    }) : () -> ()
    return
  }
}

module attributes {stable_mosaic.version = 14 : i64} {
  func.func @_repack_kernel(%arg0: i32, %arg1: memref<8x8192xf32, #tpu.memory_space<vmem>>, %arg2: memref<8x8192xf32, #tpu.memory_space<vmem>>, %arg3: memref<8x8192xf32, #tpu.memory_space<vmem>>, %arg4: memref<8x8192xf32, #tpu.memory_space<vmem>>, %arg5: memref<8x8192xf32, #tpu.memory_space<vmem>>, %arg6: memref<8x8192xf32, #tpu.memory_space<vmem>>, %arg7: memref<512x128xf32, #tpu.memory_space<vmem>>, %arg8: memref<512x128xf32, #tpu.memory_space<vmem>>, %arg9: memref<512x128xf32, #tpu.memory_space<vmem>>, %arg10: memref<512x128xf32, #tpu.memory_space<vmem>>, %arg11: memref<512x128xf32, #tpu.memory_space<vmem>>, %arg12: memref<512x128xf32, #tpu.memory_space<vmem>>) attributes {dimension_semantics = [#tpu.dimension_semantics<arbitrary>], iteration_bounds = array<i64: 13>, scalar_prefetch = 0 : i64, scratch_operands = 0 : i64, tpu.core_type = #tpu.core_type<tc>, window_params = [{transform_indices = @transform_0, window_bounds = array<i64: 8, 8192>}, {transform_indices = @transform_1, window_bounds = array<i64: 8, 8192>}, {transform_indices = @transform_2, window_bounds = array<i64: 8, 8192>}, {transform_indices = @transform_3, window_bounds = array<i64: 8, 8192>}, {transform_indices = @transform_4, window_bounds = array<i64: 8, 8192>}, {transform_indices = @transform_5, window_bounds = array<i64: 8, 8192>}, {transform_indices = @transform_6, window_bounds = array<i64: 512, 128>}, {transform_indices = @transform_7, window_bounds = array<i64: 512, 128>}, {transform_indices = @transform_8, window_bounds = array<i64: 512, 128>}, {transform_indices = @transform_9, window_bounds = array<i64: 512, 128>}, {transform_indices = @transform_10, window_bounds = array<i64: 512, 128>}, {transform_indices = @transform_11, window_bounds = array<i64: 512, 128>}]} {
    %get3A = arith.constant 0 : index
    %get3A_0 = arith.constant 0 : index
    %get3A_1 = vector.load %arg1[%get3A, %get3A_0] : memref<8x8192xf32, #tpu.memory_space<vmem>>, vector<8x8192xf32>
    %reshape3A = vector.shape_cast %get3A_1 : vector<8x8192xf32> to vector<8x512x16xf32>
    %transpose3A = tpu.transpose %reshape3A, [1, 2, 0] : vector<8x512x16xf32> -> vector<512x16x8xf32>
    %reshape3A_2 = vector.shape_cast %transpose3A : vector<512x16x8xf32> to vector<512x128xf32>
    %swap3A = arith.constant 0 : index
    %swap3A_3 = arith.constant 0 : index
    %swap3A_4 = vector.load %arg7[%swap3A, %swap3A_3] : memref<512x128xf32, #tpu.memory_space<vmem>>, vector<512x128xf32>
    tpu.vector_store %arg7[%swap3A, %swap3A_3], %reshape3A_2 {strides = array<i32>} : memref<512x128xf32, #tpu.memory_space<vmem>>, vector<512x128xf32>,
    %get3A_5 = arith.constant 0 : index
    %get3A_6 = arith.constant 0 : index
    %get3A_7 = vector.load %arg2[%get3A_5, %get3A_6] : memref<8x8192xf32, #tpu.memory_space<vmem>>, vector<8x8192xf32>
    %reshape3A_8 = vector.shape_cast %get3A_7 : vector<8x8192xf32> to vector<8x512x16xf32>
    %transpose3A_9 = tpu.transpose %reshape3A_8, [1, 2, 0] : vector<8x512x16xf32> -> vector<512x16x8xf32>
    %reshape3A_10 = vector.shape_cast %transpose3A_9 : vector<512x16x8xf32> to vector<512x128xf32>
    %swap3A_11 = arith.constant 0 : index
    %swap3A_12 = arith.constant 0 : index
    %swap3A_13 = vector.load %arg8[%swap3A_11, %swap3A_12] : memref<512x128xf32, #tpu.memory_space<vmem>>, vector<512x128xf32>
    tpu.vector_store %arg8[%swap3A_11, %swap3A_12], %reshape3A_10 {strides = array<i32>} : memref<512x128xf32, #tpu.memory_space<vmem>>, vector<512x128xf32>,
    %get3A_14 = arith.constant 0 : index
    %get3A_15 = arith.constant 0 : index
    %get3A_16 = vector.load %arg3[%get3A_14, %get3A_15] : memref<8x8192xf32, #tpu.memory_space<vmem>>, vector<8x8192xf32>
    %reshape3A_17 = vector.shape_cast %get3A_16 : vector<8x8192xf32> to vector<8x512x16xf32>
    %transpose3A_18 = tpu.transpose %reshape3A_17, [1, 2, 0] : vector<8x512x16xf32> -> vector<512x16x8xf32>
    %reshape3A_19 = vector.shape_cast %transpose3A_18 : vector<512x16x8xf32> to vector<512x128xf32>
    %swap3A_20 = arith.constant 0 : index
    %swap3A_21 = arith.constant 0 : index
    %swap3A_22 = vector.load %arg9[%swap3A_20, %swap3A_21] : memref<512x128xf32, #tpu.memory_space<vmem>>, vector<512x128xf32>
    tpu.vector_store %arg9[%swap3A_20, %swap3A_21], %reshape3A_19 {strides = array<i32>} : memref<512x128xf32, #tpu.memory_space<vmem>>, vector<512x128xf32>,
    %get3A_23 = arith.constant 0 : index
    %get3A_24 = arith.constant 0 : index
    %get3A_25 = vector.load %arg4[%get3A_23, %get3A_24] : memref<8x8192xf32, #tpu.memory_space<vmem>>, vector<8x8192xf32>
    %reshape3A_26 = vector.shape_cast %get3A_25 : vector<8x8192xf32> to vector<8x512x16xf32>
    %transpose3A_27 = tpu.transpose %reshape3A_26, [1, 2, 0] : vector<8x512x16xf32> -> vector<512x16x8xf32>
    %reshape3A_28 = vector.shape_cast %transpose3A_27 : vector<512x16x8xf32> to vector<512x128xf32>
    %swap3A_29 = arith.constant 0 : index
    %swap3A_30 = arith.constant 0 : index
    %swap3A_31 = vector.load %arg10[%swap3A_29, %swap3A_30] : memref<512x128xf32, #tpu.memory_space<vmem>>, vector<512x128xf32>
    tpu.vector_store %arg10[%swap3A_29, %swap3A_30], %reshape3A_28 {strides = array<i32>} : memref<512x128xf32, #tpu.memory_space<vmem>>, vector<512x128xf32>,
    %get3A_32 = arith.constant 0 : index
    %get3A_33 = arith.constant 0 : index
    %get3A_34 = vector.load %arg5[%get3A_32, %get3A_33] : memref<8x8192xf32, #tpu.memory_space<vmem>>, vector<8x8192xf32>
    %reshape3A_35 = vector.shape_cast %get3A_34 : vector<8x8192xf32> to vector<8x512x16xf32>
    %transpose3A_36 = tpu.transpose %reshape3A_35, [1, 2, 0] : vector<8x512x16xf32> -> vector<512x16x8xf32>
    %reshape3A_37 = vector.shape_cast %transpose3A_36 : vector<512x16x8xf32> to vector<512x128xf32>
    %swap3A_38 = arith.constant 0 : index
    %swap3A_39 = arith.constant 0 : index
    %swap3A_40 = vector.load %arg11[%swap3A_38, %swap3A_39] : memref<512x128xf32, #tpu.memory_space<vmem>>, vector<512x128xf32>
    tpu.vector_store %arg11[%swap3A_38, %swap3A_39], %reshape3A_37 {strides = array<i32>} : memref<512x128xf32, #tpu.memory_space<vmem>>, vector<512x128xf32>,
    %get3A_41 = arith.constant 0 : index
    %get3A_42 = arith.constant 0 : index
    %get3A_43 = vector.load %arg6[%get3A_41, %get3A_42] : memref<8x8192xf32, #tpu.memory_space<vmem>>, vector<8x8192xf32>
    %reshape3A_44 = vector.shape_cast %get3A_43 : vector<8x8192xf32> to vector<8x512x16xf32>
    %transpose3A_45 = tpu.transpose %reshape3A_44, [1, 2, 0] : vector<8x512x16xf32> -> vector<512x16x8xf32>
    %reshape3A_46 = vector.shape_cast %transpose3A_45 : vector<512x16x8xf32> to vector<512x128xf32>
    %swap3A_47 = arith.constant 0 : index
    %swap3A_48 = arith.constant 0 : index
    %swap3A_49 = vector.load %arg12[%swap3A_47, %swap3A_48] : memref<512x128xf32, #tpu.memory_space<vmem>>, vector<512x128xf32>
    tpu.vector_store %arg12[%swap3A_47, %swap3A_48], %reshape3A_46 {strides = array<i32>} : memref<512x128xf32, #tpu.memory_space<vmem>>, vector<512x128xf32>,
    return
  }
  func.func @transform_0(%arg0: i32) -> (i32, i32) {
    %c0_i32 = arith.constant 0 : i32
    %c0_i32_0 = arith.constant 0 : i32
    return %c0_i32, %arg0 : i32, i32
  }
  func.func @transform_1(%arg0: i32) -> (i32, i32) {
    %c0_i32 = arith.constant 0 : i32
    %c0_i32_0 = arith.constant 0 : i32
    return %c0_i32, %arg0 : i32, i32
  }
  func.func @transform_2(%arg0: i32) -> (i32, i32) {
    %c0_i32 = arith.constant 0 : i32
    %c0_i32_0 = arith.constant 0 : i32
    return %c0_i32, %arg0 : i32, i32
  }
  func.func @transform_3(%arg0: i32) -> (i32, i32) {
    %c0_i32 = arith.constant 0 : i32
    %c0_i32_0 = arith.constant 0 : i32
    return %c0_i32, %arg0 : i32, i32
  }
  func.func @transform_4(%arg0: i32) -> (i32, i32) {
    %c0_i32 = arith.constant 0 : i32
    %c0_i32_0 = arith.constant 0 : i32
    return %c0_i32, %arg0 : i32, i32
  }
  func.func @transform_5(%arg0: i32) -> (i32, i32) {
    %c0_i32 = arith.constant 0 : i32
    %c0_i32_0 = arith.constant 0 : i32
    return %c0_i32, %arg0 : i32, i32
  }
  func.func @transform_6(%arg0: i32) -> (i32, i32) {
    %c0_i32 = arith.constant 0 : i32
    %c0_i32_0 = arith.constant 0 : i32
    return %arg0, %c0_i32 : i32, i32
  }
  func.func @transform_7(%arg0: i32) -> (i32, i32) {
    %c0_i32 = arith.constant 0 : i32
    %c0_i32_0 = arith.constant 0 : i32
    return %arg0, %c0_i32 : i32, i32
  }
  func.func @transform_8(%arg0: i32) -> (i32, i32) {
    %c0_i32 = arith.constant 0 : i32
    %c0_i32_0 = arith.constant 0 : i32
    return %arg0, %c0_i32 : i32, i32
  }
  func.func @transform_9(%arg0: i32) -> (i32, i32) {
    %c0_i32 = arith.constant 0 : i32
    %c0_i32_0 = arith.constant 0 : i32
    return %arg0, %c0_i32 : i32, i32
  }
  func.func @transform_10(%arg0: i32) -> (i32, i32) {
    %c0_i32 = arith.constant 0 : i32
    %c0_i32_0 = arith.constant 0 : i32
    return %arg0, %c0_i32 : i32, i32
  }
  func.func @transform_11(%arg0: i32) -> (i32, i32) {
    %c0_i32 = arith.constant 0 : i32
    %c0_i32_0 = arith.constant 0 : i32
    return %arg0, %c0_i32 : i32, i32
  }
}

module attributes {stable_mosaic.version = 14 : i64} {
  func.func @_mlp_kernel(%arg0: i32, %arg1: memref<4096x128xf32, #tpu.memory_space<vmem>>, %arg2: memref<48x192xf32, #tpu.memory_space<vmem>>, %arg3: memref<1x192xf32, #tpu.memory_space<vmem>>, %arg4: memref<192x192xf32, #tpu.memory_space<vmem>>, %arg5: memref<1x192xf32, #tpu.memory_space<vmem>>, %arg6: memref<192x192xf32, #tpu.memory_space<vmem>>, %arg7: memref<1x192xf32, #tpu.memory_space<vmem>>, %arg8: memref<192x1xf32, #tpu.memory_space<vmem>>, %arg9: memref<1x1xf32, #tpu.memory_space<vmem>>, %arg10: memref<4096x1xf32, #tpu.memory_space<vmem>>) attributes {dimension_semantics = [#tpu.dimension_semantics<arbitrary>], iteration_bounds = array<i64: 4>, scalar_prefetch = 0 : i64, scratch_operands = 0 : i64, tpu.core_type = #tpu.core_type<tc>, window_params = [{transform_indices = @transform_0, window_bounds = array<i64: 4096, 128>}, {pipeline_mode = #tpu.pipeline_mode<synchronous>, transform_indices = @transform_1, window_bounds = array<i64: 48, 192>}, {pipeline_mode = #tpu.pipeline_mode<synchronous>, transform_indices = @transform_2, window_bounds = array<i64: 1, 192>}, {pipeline_mode = #tpu.pipeline_mode<synchronous>, transform_indices = @transform_3, window_bounds = array<i64: 192, 192>}, {pipeline_mode = #tpu.pipeline_mode<synchronous>, transform_indices = @transform_4, window_bounds = array<i64: 1, 192>}, {pipeline_mode = #tpu.pipeline_mode<synchronous>, transform_indices = @transform_5, window_bounds = array<i64: 192, 192>}, {pipeline_mode = #tpu.pipeline_mode<synchronous>, transform_indices = @transform_6, window_bounds = array<i64: 1, 192>}, {pipeline_mode = #tpu.pipeline_mode<synchronous>, transform_indices = @transform_7, window_bounds = array<i64: 192, 1>}, {pipeline_mode = #tpu.pipeline_mode<synchronous>, transform_indices = @transform_8, window_bounds = array<i64: 1, 1>}, {transform_indices = @transform_9, window_bounds = array<i64: 4096, 1>}]} {
    %get3A = arith.constant 0 : index
    %get3A_0 = arith.constant 0 : index
    %get3A_1 = vector.load %arg1[%get3A, %get3A_0] : memref<4096x128xf32, #tpu.memory_space<vmem>>, vector<4096x128xf32>
    %slice3A = vector.extract_strided_slice %get3A_1 {offsets = [0, 0], sizes = [4096, 48], strides = [1, 1]} : vector<4096x128xf32> to vector<4096x48xf32>
    %get3A_2 = arith.constant 0 : index
    %get3A_3 = arith.constant 0 : index
    %get3A_4 = vector.load %arg2[%get3A_2, %get3A_3] : memref<48x192xf32, #tpu.memory_space<vmem>>, vector<48x192xf32>
    %dot_general3A = arith.constant dense<0.000000e+00> : vector<4096x192xf32>
    %dot_general3A_5 = tpu.matmul %slice3A, %get3A_4, %dot_general3A {dimension_numbers = #tpu.dot_dimension_numbers<[1], [0], [0], [1], [0, 0, 1, 1], [], []>, transpose_lhs_hint = false} : vector<4096x48xf32>, vector<48x192xf32>, vector<4096x192xf32> -> vector<4096x192xf32>
    %get3A_6 = arith.constant 0 : index
    %get3A_7 = arith.constant 0 : index
    %get3A_8 = vector.load %arg3[%get3A_6, %get3A_7] : memref<1x192xf32, #tpu.memory_space<vmem>>, vector<1x192xf32>
    %add3A = vector.broadcast %get3A_8 : vector<1x192xf32> to vector<4096x192xf32>
    %add3A_9 = arith.addf %dot_general3A_5, %add3A : vector<4096x192xf32>
    %max3A = arith.constant 0.000000e+00 : f32
    %max3A_10 = vector.broadcast %max3A : f32 to vector<4096x192xf32>
    %max3A_11 = arith.maximumf %add3A_9, %max3A_10 : vector<4096x192xf32>
    %get3A_12 = arith.constant 0 : index
    %get3A_13 = arith.constant 0 : index
    %get3A_14 = vector.load %arg4[%get3A_12, %get3A_13] : memref<192x192xf32, #tpu.memory_space<vmem>>, vector<192x192xf32>
    %dot_general3A_15 = arith.constant dense<0.000000e+00> : vector<4096x192xf32>
    %dot_general3A_16 = tpu.matmul %max3A_11, %get3A_14, %dot_general3A_15 {dimension_numbers = #tpu.dot_dimension_numbers<[1], [0], [0], [1], [0, 0, 1, 1], [], []>, transpose_lhs_hint = false} : vector<4096x192xf32>, vector<192x192xf32>, vector<4096x192xf32> -> vector<4096x192xf32>
    %get3A_17 = arith.constant 0 : index
    %get3A_18 = arith.constant 0 : index
    %get3A_19 = vector.load %arg5[%get3A_17, %get3A_18] : memref<1x192xf32, #tpu.memory_space<vmem>>, vector<1x192xf32>
    %add3A_20 = vector.broadcast %get3A_19 : vector<1x192xf32> to vector<4096x192xf32>
    %add3A_21 = arith.addf %dot_general3A_16, %add3A_20 : vector<4096x192xf32>
    %max3A_22 = arith.constant 0.000000e+00 : f32
    %max3A_23 = vector.broadcast %max3A_22 : f32 to vector<4096x192xf32>
    %max3A_24 = arith.maximumf %add3A_21, %max3A_23 : vector<4096x192xf32>
    %get3A_25 = arith.constant 0 : index
    %get3A_26 = arith.constant 0 : index
    %get3A_27 = vector.load %arg6[%get3A_25, %get3A_26] : memref<192x192xf32, #tpu.memory_space<vmem>>, vector<192x192xf32>
    %dot_general3A_28 = arith.constant dense<0.000000e+00> : vector<4096x192xf32>
    %dot_general3A_29 = tpu.matmul %max3A_24, %get3A_27, %dot_general3A_28 {dimension_numbers = #tpu.dot_dimension_numbers<[1], [0], [0], [1], [0, 0, 1, 1], [], []>, transpose_lhs_hint = false} : vector<4096x192xf32>, vector<192x192xf32>, vector<4096x192xf32> -> vector<4096x192xf32>
    %get3A_30 = arith.constant 0 : index
    %get3A_31 = arith.constant 0 : index
    %get3A_32 = vector.load %arg7[%get3A_30, %get3A_31] : memref<1x192xf32, #tpu.memory_space<vmem>>, vector<1x192xf32>
    %add3A_33 = vector.broadcast %get3A_32 : vector<1x192xf32> to vector<4096x192xf32>
    %add3A_34 = arith.addf %dot_general3A_29, %add3A_33 : vector<4096x192xf32>
    %max3A_35 = arith.constant 0.000000e+00 : f32
    %max3A_36 = vector.broadcast %max3A_35 : f32 to vector<4096x192xf32>
    %max3A_37 = arith.maximumf %add3A_34, %max3A_36 : vector<4096x192xf32>
    %get3A_38 = arith.constant 0 : index
    %get3A_39 = arith.constant 0 : index
    %get3A_40 = vector.load %arg8[%get3A_38, %get3A_39] : memref<192x1xf32, #tpu.memory_space<vmem>>, vector<192x1xf32>
    %dot_general3A_41 = arith.constant dense<0.000000e+00> : vector<4096x1xf32>
    %dot_general3A_42 = tpu.matmul %max3A_37, %get3A_40, %dot_general3A_41 {dimension_numbers = #tpu.dot_dimension_numbers<[1], [0], [0], [1], [0, 0, 1, 1], [], []>, transpose_lhs_hint = false} : vector<4096x192xf32>, vector<192x1xf32>, vector<4096x1xf32> -> vector<4096x1xf32>
    %get3A_43 = arith.constant 0 : index
    %get3A_44 = arith.constant 0 : index
    %get3A_45 = vector.load %arg9[%get3A_43, %get3A_44] : memref<1x1xf32, #tpu.memory_space<vmem>>, vector<1x1xf32>
    %add3A_46 = vector.broadcast %get3A_45 : vector<1x1xf32> to vector<4096x1xf32>
    %add3A_47 = arith.addf %dot_general3A_42, %add3A_46 : vector<4096x1xf32>
    %swap3A = arith.constant 0 : index
    %swap3A_48 = arith.constant 0 : index
    %swap3A_49 = vector.load %arg10[%swap3A, %swap3A_48] : memref<4096x1xf32, #tpu.memory_space<vmem>>, vector<4096x1xf32>
    tpu.vector_store %arg10[%swap3A, %swap3A_48], %add3A_47 {strides = array<i32>} : memref<4096x1xf32, #tpu.memory_space<vmem>>, vector<4096x1xf32>,
    return
  }
  func.func @transform_0(%arg0: i32) -> (i32, i32) {
    %c0_i32 = arith.constant 0 : i32
    %c0_i32_0 = arith.constant 0 : i32
    return %arg0, %c0_i32 : i32, i32
  }
  func.func @transform_1(%arg0: i32) -> (i32, i32) {
    %c0_i32 = arith.constant 0 : i32
    %c0_i32_0 = arith.constant 0 : i32
    %c0_i32_1 = arith.constant 0 : i32
    return %c0_i32, %c0_i32_0 : i32, i32
  }
  func.func @transform_2(%arg0: i32) -> (i32, i32) {
    %c0_i32 = arith.constant 0 : i32
    %c0_i32_0 = arith.constant 0 : i32
    %c0_i32_1 = arith.constant 0 : i32
    return %c0_i32, %c0_i32_0 : i32, i32
  }
  func.func @transform_3(%arg0: i32) -> (i32, i32) {
    %c0_i32 = arith.constant 0 : i32
    %c0_i32_0 = arith.constant 0 : i32
    %c0_i32_1 = arith.constant 0 : i32
    return %c0_i32, %c0_i32_0 : i32, i32
  }
  func.func @transform_4(%arg0: i32) -> (i32, i32) {
    %c0_i32 = arith.constant 0 : i32
    %c0_i32_0 = arith.constant 0 : i32
    %c0_i32_1 = arith.constant 0 : i32
    return %c0_i32, %c0_i32_0 : i32, i32
  }
  func.func @transform_5(%arg0: i32) -> (i32, i32) {
    %c0_i32 = arith.constant 0 : i32
    %c0_i32_0 = arith.constant 0 : i32
    %c0_i32_1 = arith.constant 0 : i32
    return %c0_i32, %c0_i32_0 : i32, i32
  }
  func.func @transform_6(%arg0: i32) -> (i32, i32) {
    %c0_i32 = arith.constant 0 : i32
    %c0_i32_0 = arith.constant 0 : i32
    %c0_i32_1 = arith.constant 0 : i32
    return %c0_i32, %c0_i32_0 : i32, i32
  }
  func.func @transform_7(%arg0: i32) -> (i32, i32) {
    %c0_i32 = arith.constant 0 : i32
    %c0_i32_0 = arith.constant 0 : i32
    %c0_i32_1 = arith.constant 0 : i32
    return %c0_i32, %c0_i32_0 : i32, i32
  }
  func.func @transform_8(%arg0: i32) -> (i32, i32) {
    %c0_i32 = arith.constant 0 : i32
    %c0_i32_0 = arith.constant 0 : i32
    %c0_i32_1 = arith.constant 0 : i32
    return %c0_i32, %c0_i32_0 : i32, i32
  }
  func.func @transform_9(%arg0: i32) -> (i32, i32) {
    %c0_i32 = arith.constant 0 : i32
    %c0_i32_0 = arith.constant 0 : i32
    return %arg0, %c0_i32 : i32, i32
  }
}

</mosaic_0001>

<sc_bundles>
// kernel: kernel.5.cloned.1.call-start
scs
__scs_entry_jumppad:
0x0: {  	(pc) =	sbr.rel $0x88, $3  }
0x1: {  	(tag) =	ssettag $0x0;
	lr =	simm.s32 $0x1  }
0x2: {  	[smem:$0x3F8D] =	sst lr;
	_ =	strace $0xD0000000  }
0x3: {  	_ = 	snop  }
0x4: {  	_ = 	snop  }
0x5: {  	_ = 	snop  }
0x6: {  	_ = 	snop  }
0x7: {  	_ = 	snop  }
__scs_overlays_trampoline_lowered:
0x8: {  	[smem:$0x3F9C] =	sst s0  }
0x9: {  	[smem:$0x3F9D] =	sst s1  }
0xa: {  	[smem:$0x3F9E] =	sst s2  }
0xb: {  	[smem:$0x3F9F] =	sst s3  }
0xc: {  	[smem:$0x3FA0] =	sst s4  }
0xd: {  	[smem:$0x3FA1] =	sst s5  }
0xe: {  	[smem:$0x3FA2] =	sst s6  }
0xf: {  	[smem:$0x3FA3] =	sst s7  }
0x10: {  	[smem:$0x3FA4] =	sst s8  }
0x11: {  	[smem:$0x3FA5] =	sst s9;
	s0 =	simm.s32 @!p0 $0x0  }
0x12: {  	s1 =	sld [smem:$0x3F8B];
	s0 =	simm.s32 @p0 $0x1  }
0x13: {  	[smem:$0x3FA6] =	sst s0;
	s0 =	simm.s32 @!p1 $0x0  }
0x14: {  	s2 =	sld [smem:$0x3F8A];
	s0 =	simm.s32 @p1 $0x1  }
0x15: {  	[smem:$0x3FA7] =	sst s0;
	s0 =	simm.s32 @!p2 $0x0  }
0x16: {  	s3 =	sld [smem:$0x3FDB];
	s0 =	simm.s32 @p2 $0x1  }
0x17: {  	s4 =	simm.s32 $0x1BF5;
	[smem:$0x3FA9] =	sst s0  }
0x18: {  	s0 =	sld [smem:$0x3F8C];
	_ =	swait.ge [sflag:s4], $0x0  }
0x19: {  	s7 =	sld [smem:$0x3F8D]  }
0x1a: {  	s8 =	sadd.s32 $0xFFFFE003, lr  }
0x1b: {  	s9 =	sadd.s32 $0xFFFFFEF7, lr;
	s5 =	simm.s32 $0xFFFFFFFF;
	p2 =	slt.u32 s8, $0xFFFFF086  }
0x1c: {  	p1 =	slt.u32 s9, $0xF7A;
	s5 =	simm.s32 @!p2 $0x0  }
0x1d: {  	s5 =	simm.s32 @p1 $0x1;
	p0 =	seq.s32 s7, s2  }
0x1e: {  	s7 =	smul.u32 @!p0 $0xF7A, s2;
	p2 =	seq.s32 @!p0 s5, $0x0  }
0x1f: {  	s9 =	smul.u32 $0xF7A, s1;
	s8 =	simm.s32 @!p0 $0x1BF5;
	p2 =	por !p2, p0  }
0x20: {  	[sflag:s8] =	ssyncset.s32 @!p0 $0xFFFFF086;
	s6 =	sadd.s32 @!p0 s3, s7;
	s7 =	simm.s32 @!p0 $0x108  }
0x21: {  	s3 =	sadd.s32 s3, s9;
	s6 =	sadd.s32 @!p0 $0x88, s6;
	s7 =	simm.s32 @p2 $0x1082  }
0x22: {  	[simem:s7], [sflag:s8] =	dma.local @!p0 [hbm:s6], $0xF7A  }
0x23: {  	s9 =	sor.u32 $0xD0000000, s2;
	s6 =	simm.s32 $0x108;
	_ =	swait.ge @!p0 [sflag:s8], $0x0  }
0x24: {  	s3 =	sadd.s32 $0x88, s3;
	s6 =	simm.s32 @!p1 $0x1082;
	[sflag:s4] =	ssyncset.s32 $0xFFFFF086  }
0x25: {  	[simem:s6], [sflag:s4] =	dma.local [hbm:s3], $0xF7A  }
0x26: {  	[smem:$0x3F8D] =	sst s1;
	(tag) =	ssettag s2;
	_ =	strace s9  }
0x27: {  	s1 =	sld [smem:$0x3F9D]  }
0x28: {  	s2 =	sld [smem:$0x3F9E]  }
0x29: {  	s4 =	sld [smem:$0x3FA0]  }
0x2a: {  	p0 =	seq.s32 s5, $0x0;
	s5 =	sld [smem:$0x3FA1]  }
0x2b: {  	s6 =	sld [smem:$0x3FA2]  }
0x2c: {  	s7 =	sld [smem:$0x3FA3]  }
0x2d: {  	s3 =	simm.s32 $0x108;
	s8 =	sld [smem:$0x3FA4]  }
0x2e: {  	s3 =	simm.s32 @!p0 $0x1082;
	s9 =	sld [smem:$0x3FA5]  }
0x2f: {  	lr =	sadd.s32 s0, s3;
	s0 =	sld [smem:$0x3F9C]  }
0x30: {  	s3 =	sld [smem:$0x3F9F]  }
0x31: {  	[smem:$0x3FA8] =	sst s10  }
0x32: {  	s10 =	sld [smem:$0x3FA6];
	_ =	sdelay $0x3  }
0x33: {  	p0 =	seq.s32 s10, $0x1;
	s10 =	sld [smem:$0x3FA8];
	_ =	sdelay $0x3  }
0x34: {  	[smem:$0x3FA8] =	sst s10  }
0x35: {  	s10 =	sld [smem:$0x3FA7];
	_ =	sdelay $0x3  }
0x36: {  	p1 =	seq.s32 s10, $0x1;
	s10 =	sld [smem:$0x3FA8];
	_ =	sdelay $0x3  }
0x37: {  	[smem:$0x3FA8] =	sst s10  }
0x38: {  	s10 =	sld [smem:$0x3FA9]  }
0x39: {  	_ = 	snop;
	(pc) =	sbr.ind lr, $3  }
0x3a: {  	_ = 	snop  }
0x3b: {  	_ = 	snop  }
0x3c: {  	p2 =	seq.s32 s10, $0x1;
	s10 =	sld [smem:$0x3FA8]  }
0x3d: {  	_ =	shalt  }
0x3e: {  	_ =	shalt  }
0x3f: {  	_ =	shalt  }
0x40: {  	_ =	shalt  }
0x41: {  	_ =	shalt  }
0x42: {  	_ =	shalt  }
0x43: {  	_ =	shalt  }
0x44: {  	_ =	shalt  }
0x45: {  	_ =	shalt  }
0x46: {  	_ =	shalt  }
0x47: {  	_ =	shalt  }
0x48: {  	_ =	shalt  }
0x49: {  	_ =	shalt  }
0x4a: {  	_ =	shalt  }
0x4b: {  	_ =	shalt  }
0x4c: {  	_ =	shalt  }
0x4d: {  	_ =	shalt  }
0x4e: {  	_ =	shalt  }
0x4f: {  	_ =	shalt  }
0x50: {  	_ =	shalt  }
0x51: {  	_ =	shalt  }
0x52: {  	_ =	shalt  }
0x53: {  	_ =	shalt  }
0x54: {  	_ =	shalt  }
0x55: {  	_ =	shalt  }
0x56: {  	_ =	shalt  }
0x57: {  	_ =	shalt  }
0x58: {  	_ =	shalt  }
0x59: {  	_ =	shalt  }
0x5a: {  	_ =	shalt  }
0x5b: {  	_ =	shalt  }
0x5c: {  	_ =	shalt  }
0x5d: {  	_ =	shalt  }
0x5e: {  	_ =	shalt  }
0x5f: {  	_ =	shalt  }
0x60: {  	_ =	shalt  }
0x61: {  	_ =	shalt  }
0x62: {  	_ =	shalt  }
0x63: {  	_ =	shalt  }
0x64: {  	_ =	shalt  }
0x65: {  	_ =	shalt  }
0x66: {  	_ =	shalt  }
0x67: {  	_ =	shalt  }
0x68: {  	_ =	shalt  }
0x69: {  	_ =	shalt  }
0x6a: {  	_ =	shalt  }
0x6b: {  	_ =	shalt  }
0x6c: {  	_ =	shalt  }
0x6d: {  	_ =	shalt  }
0x6e: {  	_ =	shalt  }
0x6f: {  	_ =	shalt  }
0x70: {  	_ =	shalt  }
0x71: {  	_ =	shalt  }
0x72: {  	_ =	shalt  }
0x73: {  	_ =	shalt  }
0x74: {  	_ =	shalt  }
0x75: {  	_ =	shalt  }
0x76: {  	_ =	shalt  }
0x77: {  	_ =	shalt  }
0x78: {  	_ =	shalt  }
0x79: {  	_ =	shalt  }
0x7a: {  	_ =	shalt  }
0x7b: {  	_ =	shalt  }
0x7c: {  	_ =	shalt  }
0x7d: {  	_ =	shalt  }
0x7e: {  	_ =	shalt  }
0x7f: {  	_ =	shalt  }
0x80: {  	_ =	shalt  }
0x81: {  	_ =	shalt  }
0x82: {  	_ =	shalt  }
0x83: {  	_ =	shalt  }
0x84: {  	_ =	shalt  }
0x85: {  	_ =	shalt  }
0x86: {  	_ =	shalt  }
0x87: {  	_ =	shalt  }
.Lfunc_end0:
.L_simem_size_0:
called_computation_lowered:
.L_overlay_start_0:
0x88: {  	s2 =	sld [smem:$0x3FD9]  }
0x89: {  	s3 =	sld [smem:$0x3FFE];
	_ =	sdelay $0x1  }
0x8a: {  	s1 =	srdreg.scid  }
0x8b: {  	s0 =	sand.u32 $0x1, s1  }
0x8c: {  	s16 =	sshll.u32 s0, $0xA;
	s2 =	sadd.s32 s3, s2  }
0x8d: {  	s2 =	sadd.s32 s2, s16  }
0x8e: {  	[smem:$0x3FB4] =	sst s2  }
0x8f: {  	_ = 	snop  }
0x90: {  	(tm) =	ssettm $0x1  }
0x91: {  	s17 =	sld [smem:$0x3FFB];
	_ =	sdelay $0x3  }
0x92: {  	_ =	strace s17  }
0x93: {  	s2 =	sld [smem:$0x3FFC];
	_ =	sdelay $0x3  }
0x94: {  	_ =	strace s2  }
0x95: {  	s2 =	sld [smem:$0x3FFD];
	_ =	sdelay $0x3  }
0x96: {  	_ =	strace s2  }
0x97: {  	_ =	strace $0x8FFFFFFF  }
0x98: {  	s18 =	sld [smem:$0x3FDB];
	_ =	sdelay $0x1  }
0x99: {  	s19 =	simm.s32 $_scs_section_size  }
0x9a: {  	s4 =	simm.s32 $_size__tile_overlayer_lowered;
	s5 =	simm.s32 $_tile_overlayer_lowered  }
0x9b: {  	s22 =	simm.s32 $0x1BFF;
	s21 =	sshll.u32 s5, $0x1;
	s2 =	sadd.s32 s19, s18  }
0x9c: {  	s6 =	simm.s32 $0x0;
	s20 =	sshll.u32 s4, $0x1;
	s4 =	sadd.s32 s21, s2  }
0x9d: {  	[timem:s6], [sflag:s22] =	dma.local [hbm:s4], s20  }
0x9e: {  	_ =	swait.ge [sflag:s22], s20  }
0x9f: {  	s3 =	ssub.s32 $0x0, s20;
	[sflag:s22] =	ssyncset.done $0x0  }
0xa0: {  	[sflag:s22] =	ssyncadd.s32 s3;
	_ =	sdelay $0x1  }
0xa1: {  	s23 =	simm.s32 $0x1B8B  }
0xa2: {  	_ =	swait.ge [sflag:s23], $0x1  }
0xa3: {  	[sflag:s23] =	ssyncset.done $0x0  }
0xa4: {  	s25 =	simm.s32 $0x1B8E;
	s24 =	sld [smem:$0x3FFE];
	[sflag:s23] =	ssyncadd.s32 $0xFFFFFFFF  }
0xa5: {  	s26 =	simm.s32 $execute0_lowered;
	[smem:$0x3FD2] =	sst s25  }
0xa6: {  	s4 =	sshll.u32 s26, $0x1;
	_ =	strace $0x80000046;
	[dreg:$0x1] =	wrdreg $0xFFFFFFFF  }
0xa7: {  	s28 =	simm.s32 $_size_execute0_lowered;
	s2 =	sadd.s32 s2, s4;
	[dreg:$0x0] =	wrdreg $0x0  }
0xa8: {  	s4 =	sshll.u32 s28, $0x1;
	[dreg:$0x2] =	wrdreg s2  }
0xa9: {  	[dreg:$0x3] =	wrdreg s4  }
0xaa: {  	[dreg:$0x4] =	wrdreg $0xC0  }
0xab: {  	_ =	task [dreg:s6], $0x5FFFF  }
0xac: {  	[dreg:$0x1] =	wrdreg $0xFFFFFFFF  }
0xad: {  	[dreg:$0x0] =	wrdreg $0x60  }
0xae: {  	[dreg:$0x2] =	wrdreg s24  }
0xaf: {  	[dreg:$0x3] =	wrdreg $0x9  }
0xb0: {  	_ =	task.clear_ibuf [dreg:s6], $0x4FFFF;
	_ =	strace $0x90000046  }
0xb1: {  	s29 =	simm.s32 $0x9;
	_ =	strace $0x80000048  }
0xb2: {  	_ =	swait.ge [sflag:s29], $0x1  }
0xb3: {  	[sflag:s29] =	ssyncadd.s32 $0xFFFFFFFF  }
0xb4: {  	_ =	strace $0x90000048  }
0xb5: {  	_ =	sfence  }
0xb6: {  	s30 =	sld [smem:$0x0];
	_ =	sdelay $0x2  }
0xb7: {  	s31 =	sshll.u32 s1, $0xD;
	s1 =	sshrl.u32 s1, $0x2  }
0xb8: {  	s3 =	sand.u32 $0x4000, s31;
	s1 =	sadd.s32 s1, s30  }
0xb9: {  	s0 =	sor.u32 s3, s0;
	s1 =	sshll.u32 s1, $0x11  }
0xba: {  	s0 =	sor.u32 s1, s0  }
0xbb: {  	s0 =	sadd.s32 $0x8F2B, s0  }
0xbc: {  	[sflag:s0] =	ssyncadd.remote.s32 $0x1  }
0xbd: {  	_ =	sfence.sel $0xFFFF  }
0xbe: {  	[dreg:$0x0] =	wrdreg $0xFFFFFFFF;
	(pc) =	sbr.abs _section_cstart, $3  }
0xbf: {  	[dreg:$0x1] =	wrdreg $0xFFFFFFFF  }
0xc0: {  	_ =	task.clear_ibuf [dreg:s6], $0x2FFFF;
	_ =	strace $0x9FFFFFFF  }
0xc1: {  	(tm) =	ssettm $0x7FFFFFFF  }
tec
execute0_lowered:
.L_overlay_start_1:
0x0: {  	(tag) =	ssettag $0x1  }
0x1: {  	s2 =	stileid.u32  }
0x2: {  	s20 =	rddreg [dreg:$0x0];
	s6 =	sshll.u32 s2, $0xA;
	s2 =	simm.s32 $0x0  }
0x3: {  	s17 =	simm.s32 $0x1000;
	[smem:$0x7FF] =	sst s2  }
0x4: {  	s18 =	simm.s32 $0x100;
	_ =	strace $0x80000047;
	[dreg:$0xe] =	wrdreg s17  }
0x5: {  	s19 =	simm.s32 $0x1400;
	[dreg:$0xf] =	wrdreg s18  }
0x6: {  	s21 =	simm.s32 $0x180;
	[dreg:$0x10] =	wrdreg s19  }
0x7: {  	s22 =	simm.s32 $0x1800;
	[dreg:$0x11] =	wrdreg s21  }
0x8: {  	s23 =	simm.s32 $0x280;
	[dreg:$0x12] =	wrdreg s22  }
0x9: {  	s24 =	simm.s32 $0x2000;
	[dreg:$0x13] =	wrdreg s23  }
0xa: {  	s25 =	simm.s32 $0x300;
	[dreg:$0x14] =	wrdreg s24  }
0xb: {  	s26 =	simm.s32 $0x2400;
	[dreg:$0x15] =	wrdreg s25  }
0xc: {  	s0 =	srdreg.scid;
	s28 =	simm.s32 $0x380;
	[dreg:$0x16] =	wrdreg s26  }
0xd: {  	s29 =	simm.s32 $0x2800;
	s1 =	sand.u32 $0x1, s0;
	[dreg:$0x17] =	wrdreg s28  }
0xe: {  	s5 =	simm.s32 $0x500;
	s7 =	sshll.u32 s1, $0x9;
	[dreg:$0x18] =	wrdreg s29  }
0xf: {  	s0 =	sor.u32 s7, s6;
	[dreg:$0x1b] =	wrdreg s5;
	s6 =	simm.s32 $0x3400  }
0x10: {  	s7 =	simm.s32 $0x580;
	[dreg:$0x1c] =	wrdreg s6  }
0x11: {  	s17 =	simm.s32 $0x900;
	[dreg:$0x1d] =	wrdreg s7  }
0x12: {  	s18 =	simm.s32 $0x5400;
	s3 =	sshrl.u32 s0, $0x3;
	[smem:$0x7FC] =	sst s17  }
0x13: {  	s21 =	simm.s32 $0x980;
	[smem:$0x7F6] =	sst s18;
	s3 =	sadd.s32 s3, s20  }
0x14: {  	[smem:$0x7FD] =	sst s21;
	s4 =	sadd.s32 $0x2400, s3  }
0x15: {  	s8 =	sadd.s32 $0x2C00, s3;
	[dreg:$0x2] =	wrdreg s4  }
0x16: {  	s9 =	sadd.s32 $0x3400, s3;
	[dreg:$0x3] =	wrdreg s8  }
0x17: {  	s10 =	sadd.s32 $0x3C00, s3;
	[dreg:$0x4] =	wrdreg s9  }
0x18: {  	s0 =	sshll.u32 s0, $0x4;
	s11 =	sadd.s32 $0x4400, s3;
	[dreg:$0x5] =	wrdreg s10  }
0x19: {  	s0 =	sadd.s32 s0, s20;
	s3 =	sadd.s32 $0x4C00, s3;
	[dreg:$0x6] =	wrdreg s11  }
0x1a: {  	s12 =	sadd.s32 $0x98400, s0;
	[dreg:$0x7] =	wrdreg s3  }
0x1b: {  	s13 =	sadd.s32 $0x98401, s0;
	[dreg:$0x8] =	wrdreg s12  }
0x1c: {  	s14 =	sadd.s32 $0x98402, s0;
	[dreg:$0x9] =	wrdreg s13  }
0x1d: {  	s15 =	sadd.s32 $0x98403, s0;
	[dreg:$0xa] =	wrdreg s14  }
0x1e: {  	s16 =	sadd.s32 $0x98404, s0;
	[dreg:$0xb] =	wrdreg s15  }
0x1f: {  	s0 =	sadd.s32 $0x98405, s0;
	[dreg:$0xc] =	wrdreg s16  }
0x20: {  	[dreg:$0xd] =	wrdreg s0;
	s3 =	simm.s32 $0x480  }
0x21: {  	s4 =	simm.s32 $0x3000;
	[dreg:$0x19] =	wrdreg s3  }
0x22: {  	s8 =	simm.s32 $0x3800;
	[dreg:$0x1a] =	wrdreg s4  }
0x23: {  	s9 =	simm.s32 $0x680;
	[dreg:$0x1e] =	wrdreg s8  }
0x24: {  	s10 =	simm.s32 $0x4000;
	[dreg:$0x1f] =	wrdreg s9  }
0x25: {  	s11 =	simm.s32 $0x700;
	[smem:$0x7F7] =	sst s10  }
0x26: {  	s12 =	simm.s32 $0x4400;
	[smem:$0x7F8] =	sst s11  }
0x27: {  	s13 =	simm.s32 $0x780;
	[smem:$0x7F5] =	sst s12  }
0x28: {  	s14 =	simm.s32 $0x4800;
	[smem:$0x7F9] =	sst s13  }
0x29: {  	s15 =	simm.s32 $0x880;
	[smem:$0x7F4] =	sst s14  }
0x2a: {  	s16 =	simm.s32 $0x5000;
	[smem:$0x7FB] =	sst s15  }
0x2b: {  	[smem:$0x7FA] =	sst s16  }
0x2c: {  	s19 =	rddreg [dreg:$0x2];
	s3 =	simm.s32 $0x2  }
0x2d: {  	[tilespmem:s2], [sflag:$0x2] =	stream.linear.gather [hbm4b:s19+s2], $0x200, $0x38;
	[tilespmem:$0x6C00] =	vst v63  }
0x2e: {  	_ =	swait.ge [sflag:s3], $0x200  }
0x2f: {  	[sflag:s3] =	ssyncset.done $0x0  }
0x30: {  	s4 =	simm.s32 $0x200;
	s22 =	rddreg [dreg:$0x3];
	[sflag:s3] =	ssyncadd.s32 $0xFFFFFE00  }
0x31: {  	[tilespmem:s4], [sflag:$0x2] =	stream.linear.gather [hbm4b:s22+s2], $0x200, $0x38;
	[tilespmem:$0x6C00] =	vst v63  }
0x32: {  	_ =	swait.ge [sflag:s3], $0x200  }
0x33: {  	[sflag:s3] =	ssyncset.done $0x0  }
0x34: {  	s5 =	simm.s32 $0x400;
	s23 =	rddreg [dreg:$0x4];
	[sflag:s3] =	ssyncadd.s32 $0xFFFFFE00  }
0x35: {  	[tilespmem:s5], [sflag:$0x2] =	stream.linear.gather [hbm4b:s23+s2], $0x200, $0x38;
	[tilespmem:$0x6C00] =	vst v63  }
0x36: {  	_ =	swait.ge [sflag:s3], $0x200  }
0x37: {  	[sflag:s3] =	ssyncset.done $0x0  }
0x38: {  	s6 =	simm.s32 $0x600;
	s24 =	rddreg [dreg:$0x5];
	[sflag:s3] =	ssyncadd.s32 $0xFFFFFE00  }
0x39: {  	[tilespmem:s6], [sflag:$0x2] =	stream.linear.gather [hbm4b:s24+s2], $0x200, $0x38;
	[tilespmem:$0x6C00] =	vst v63  }
0x3a: {  	_ =	swait.ge [sflag:s3], $0x200  }
0x3b: {  	[sflag:s3] =	ssyncset.done $0x0  }
0x3c: {  	s7 =	simm.s32 $0x800;
	s25 =	rddreg [dreg:$0x6];
	[sflag:s3] =	ssyncadd.s32 $0xFFFFFE00  }
0x3d: {  	[tilespmem:s7], [sflag:$0x2] =	stream.linear.gather [hbm4b:s25+s2], $0x200, $0x38;
	[tilespmem:$0x6C00] =	vst v63  }
0x3e: {  	_ =	swait.ge [sflag:s3], $0x200  }
0x3f: {  	[sflag:s3] =	ssyncset.done $0x0  }
0x40: {  	s8 =	simm.s32 $0xA00;
	s26 =	rddreg [dreg:$0x7];
	[sflag:s3] =	ssyncadd.s32 $0xFFFFFE00  }
0x41: {  	[tilespmem:s8], [sflag:$0x2] =	stream.linear.gather [hbm4b:s26+s2], $0x200, $0x38;
	[tilespmem:$0x6C00] =	vst v63  }
0x42: {  	_ =	swait.ge [sflag:s3], $0x200  }
0x43: {  	s0 =	sld [smem:$0x7F4]  }
0x44: {  	s18 =	sld [smem:$0x7F5]  }
0x45: {  	s16 =	rddreg [dreg:$0x1e]  }
0x46: {  	s17 =	rddreg [dreg:$0x1c]  }
0x47: {  	s14 =	rddreg [dreg:$0x18]  }
0x48: {  	s15 =	rddreg [dreg:$0x16]  }
0x49: {  	s19 =	rddreg [dreg:$0x14]  }
0x4a: {  	s10 =	sadd.s32 $0x5400, s20;
	s12 =	rddreg [dreg:$0xf]  }
0x4b: {  	s9 =	simm.s32 $0x80;
	[sflag:s3] =	ssyncset.done $0x0;
	s13 =	rddreg [dreg:$0xe]  }
0x4c: {  	s11 =	simm.s32 $0xC00;
	s21 =	rddreg [dreg:$0x10];
	[sflag:s3] =	ssyncadd.s32 $0xFFFFFE00  }
0x4d: {  	[tilespmem:s11], [sflag:$0x1] =	stream.indirect.gather [hbm4b:s10+s9], $0x8, s2, s9, $0xb8;
	[tilespmem:$0x6C00] =	vst v63  }
0x4e: {  	s22 =	rddreg [dreg:$0x12]  }
0x4f: {  	[tilespmem:s13], [sflag:$0x1] =	stream.indirect.gather [hbm4b:s10+s9], $0x8, s9, s9, $0xb8;
	[tilespmem:$0x6C00] =	vst v63  }
0x50: {  	s28 =	rddreg [dreg:$0x11]  }
0x51: {  	[tilespmem:s21], [sflag:$0x1] =	stream.indirect.gather [hbm4b:s10+s9], $0x8, s12, s9, $0xb8;
	[tilespmem:$0x6C00] =	vst v63  }
0x52: {  	s29 =	rddreg [dreg:$0x13]  }
0x53: {  	[tilespmem:s22], [sflag:$0x1] =	stream.indirect.gather [hbm4b:s10+s9], $0x8, s28, s9, $0xb8;
	[tilespmem:$0x6C00] =	vst v63  }
0x54: {  	s23 =	rddreg [dreg:$0x15];
	s13 =	simm.s32 $0x1C00;
	s12 =	sadd.s32 $0x1DC00, s20  }
0x55: {  	[tilespmem:s13], [sflag:$0x1] =	stream.indirect.gather [hbm4b:s12+s9], $0x8, s4, s9, $0xb8;
	[tilespmem:$0x6C00] =	vst v63  }
0x56: {  	s24 =	rddreg [dreg:$0x1a]  }
0x57: {  	[tilespmem:s19], [sflag:$0x1] =	stream.indirect.gather [hbm4b:s12+s9], $0x8, s29, s9, $0xb8;
	[tilespmem:$0x6C00] =	vst v63  }
0x58: {  	s25 =	rddreg [dreg:$0x19]  }
0x59: {  	[tilespmem:s15], [sflag:$0x1] =	stream.indirect.gather [hbm4b:s12+s9], $0x8, s23, s9, $0xb8;
	[tilespmem:$0x6C00] =	vst v63  }
0x5a: {  	s22 =	rddreg [dreg:$0x17]  }
0x5b: {  	[tilespmem:s14], [sflag:$0x1] =	stream.indirect.gather [hbm4b:s12+s9], $0x8, s22, s9, $0xb8;
	[tilespmem:$0x6C00] =	vst v63  }
0x5c: {  	s26 =	rddreg [dreg:$0x1b];
	s4 =	simm.s32 $0x2C00;
	s14 =	sadd.s32 $0x36400, s20  }
0x5d: {  	[tilespmem:s4], [sflag:$0x1] =	stream.indirect.gather [hbm4b:s14+s9], $0x8, s5, s9, $0xb8;
	[tilespmem:$0x6C00] =	vst v63  }
0x5e: {  	s21 =	sld [smem:$0x7F6]  }
0x5f: {  	[tilespmem:s24], [sflag:$0x1] =	stream.indirect.gather [hbm4b:s14+s9], $0x8, s25, s9, $0xb8;
	[tilespmem:$0x6C00] =	vst v63  }
0x60: {  	s28 =	rddreg [dreg:$0x1d]  }
0x61: {  	[tilespmem:s17], [sflag:$0x1] =	stream.indirect.gather [hbm4b:s14+s9], $0x8, s26, s9, $0xb8;
	[tilespmem:$0x6C00] =	vst v63  }
0x62: {  	s29 =	sld [smem:$0x7F7]  }
0x63: {  	[tilespmem:s16], [sflag:$0x1] =	stream.indirect.gather [hbm4b:s14+s9], $0x8, s28, s9, $0xb8;
	[tilespmem:$0x6C00] =	vst v63  }
0x64: {  	s15 =	rddreg [dreg:$0x1f];
	s5 =	simm.s32 $0x3C00;
	s16 =	sadd.s32 $0x4EC00, s20  }
0x65: {  	[tilespmem:s5], [sflag:$0x1] =	stream.indirect.gather [hbm4b:s16+s9], $0x8, s6, s9, $0xb8;
	[tilespmem:$0x6C00] =	vst v63  }
0x66: {  	s17 =	sld [smem:$0x7F8]  }
0x67: {  	[tilespmem:s29], [sflag:$0x1] =	stream.indirect.gather [hbm4b:s16+s9], $0x8, s15, s9, $0xb8;
	[tilespmem:$0x6C00] =	vst v63  }
0x68: {  	s22 =	sld [smem:$0x7F9]  }
0x69: {  	[tilespmem:s18], [sflag:$0x1] =	stream.indirect.gather [hbm4b:s16+s9], $0x8, s17, s9, $0xb8;
	[tilespmem:$0x6C00] =	vst v63  }
0x6a: {  	s24 =	sld [smem:$0x7FA]  }
0x6b: {  	[tilespmem:s0], [sflag:$0x1] =	stream.indirect.gather [hbm4b:s16+s9], $0x8, s22, s9, $0xb8;
	[tilespmem:$0x6C00] =	vst v63  }
0x6c: {  	s19 =	sadd.s32 $0x67400, s20;
	s25 =	sld [smem:$0x7FB];
	s18 =	simm.s32 $0x4C00  }
0x6d: {  	[tilespmem:s18], [sflag:$0x1] =	stream.indirect.gather [hbm4b:s19+s9], $0x8, s7, s9, $0xb8;
	[tilespmem:$0x6C00] =	vst v63  }
0x6e: {  	s26 =	sld [smem:$0x7FC]  }
0x6f: {  	[tilespmem:s24], [sflag:$0x1] =	stream.indirect.gather [hbm4b:s19+s9], $0x8, s25, s9, $0xb8;
	[tilespmem:$0x6C00] =	vst v63  }
0x70: {  	s28 =	sld [smem:$0x7FD]  }
0x71: {  	[tilespmem:s21], [sflag:$0x1] =	stream.indirect.gather [hbm4b:s19+s9], $0x8, s26, s9, $0xb8;
	[tilespmem:$0x6C00] =	vst v63  }
0x72: {  	s29 =	simm.s32 $0x5800  }
0x73: {  	[tilespmem:s29], [sflag:$0x1] =	stream.indirect.gather [hbm4b:s19+s9], $0x8, s28, s9, $0xb8;
	[tilespmem:$0x6C00] =	vst v63  }
0x74: {  	s22 =	sadd.s32 $0x7FC00, s20;
	s20 =	simm.s32 $0x5C00  }
0x75: {  	[tilespmem:s20], [sflag:$0x1] =	stream.indirect.gather [hbm4b:s22+s9], $0x8, s8, s9, $0xb8;
	[tilespmem:$0x6C00] =	vst v63  }
0x76: {  	s6 =	simm.s32 $0xA80;
	s7 =	simm.s32 $0x6000  }
0x77: {  	[tilespmem:s7], [sflag:$0x1] =	stream.indirect.gather [hbm4b:s22+s9], $0x8, s6, s9, $0xb8;
	[tilespmem:$0x6C00] =	vst v63  }
0x78: {  	s15 =	simm.s32 $0x6400;
	s8 =	simm.s32 $0xB00  }
0x79: {  	[tilespmem:s15], [sflag:$0x1] =	stream.indirect.gather [hbm4b:s22+s9], $0x8, s8, s9, $0xb8;
	[tilespmem:$0x6C00] =	vst v63  }
0x7a: {  	s30 =	simm.s32 $0x1;
	s17 =	simm.s32 $0xB80;
	s21 =	simm.s32 $0x6800  }
0x7b: {  	[tilespmem:s21], [sflag:$0x1] =	stream.indirect.gather [hbm4b:s22+s9], $0x8, s17, s9, $0xb8;
	[tilespmem:$0x6C00] =	vst v63  }
0x7c: {  	_ =	swait.ge [sflag:s30], $0x400  }
0x7d: {  	[sflag:s30] =	ssyncset.done $0x0  }
0x7e: {  	[sflag:s30] =	ssyncadd.s32 $0xFFFFFC00  }
0x7f: {  	_ =	swait.ge [sflag:s30], $0x400  }
0x80: {  	[sflag:s30] =	ssyncset.done $0x0  }
0x81: {  	[sflag:s30] =	ssyncadd.s32 $0xFFFFFC00  }
0x82: {  	_ =	swait.ge [sflag:s30], $0x400  }
0x83: {  	[sflag:s30] =	ssyncset.done $0x0  }
0x84: {  	[sflag:s30] =	ssyncadd.s32 $0xFFFFFC00  }
0x85: {  	_ =	swait.ge [sflag:s30], $0x400  }
0x86: {  	[sflag:s30] =	ssyncset.done $0x0  }
0x87: {  	[sflag:s30] =	ssyncadd.s32 $0xFFFFFC00  }
0x88: {  	_ =	swait.ge [sflag:s30], $0x400  }
0x89: {  	[sflag:s30] =	ssyncset.done $0x0  }
0x8a: {  	[sflag:s30] =	ssyncadd.s32 $0xFFFFFC00  }
0x8b: {  	_ =	swait.ge [sflag:s30], $0x400  }
0x8c: {  	[sflag:s30] =	ssyncset.done $0x0  }
0x8d: {  	[sflag:s30] =	ssyncadd.s32 $0xFFFFFC00  }
0x8e: {  	_ =	swait.ge [sflag:s30], $0x400  }
0x8f: {  	[sflag:s30] =	ssyncset.done $0x0  }
0x90: {  	[sflag:s30] =	ssyncadd.s32 $0xFFFFFC00  }
0x91: {  	_ =	swait.ge [sflag:s30], $0x400  }
0x92: {  	[sflag:s30] =	ssyncset.done $0x0  }
0x93: {  	[sflag:s30] =	ssyncadd.s32 $0xFFFFFC00  }
0x94: {  	_ =	swait.ge [sflag:s30], $0x400  }
0x95: {  	[sflag:s30] =	ssyncset.done $0x0  }
0x96: {  	[sflag:s30] =	ssyncadd.s32 $0xFFFFFC00  }
0x97: {  	_ =	swait.ge [sflag:s30], $0x400  }
0x98: {  	[sflag:s30] =	ssyncset.done $0x0  }
0x99: {  	[sflag:s30] =	ssyncadd.s32 $0xFFFFFC00  }
0x9a: {  	_ =	swait.ge [sflag:s30], $0x400  }
0x9b: {  	[sflag:s30] =	ssyncset.done $0x0  }
0x9c: {  	[sflag:s30] =	ssyncadd.s32 $0xFFFFFC00  }
0x9d: {  	_ =	swait.ge [sflag:s30], $0x400  }
0x9e: {  	[sflag:s30] =	ssyncset.done $0x0  }
0x9f: {  	[sflag:s30] =	ssyncadd.s32 $0xFFFFFC00  }
0xa0: {  	_ =	swait.ge [sflag:s30], $0x400  }
0xa1: {  	[sflag:s30] =	ssyncset.done $0x0  }
0xa2: {  	[sflag:s30] =	ssyncadd.s32 $0xFFFFFC00  }
0xa3: {  	_ =	swait.ge [sflag:s30], $0x400  }
0xa4: {  	[sflag:s30] =	ssyncset.done $0x0  }
0xa5: {  	[sflag:s30] =	ssyncadd.s32 $0xFFFFFC00  }
0xa6: {  	_ =	swait.ge [sflag:s30], $0x400  }
0xa7: {  	[sflag:s30] =	ssyncset.done $0x0  }
0xa8: {  	[sflag:s30] =	ssyncadd.s32 $0xFFFFFC00  }
0xa9: {  	_ =	swait.ge [sflag:s30], $0x400  }
0xaa: {  	[sflag:s30] =	ssyncset.done $0x0  }
0xab: {  	[sflag:s30] =	ssyncadd.s32 $0xFFFFFC00  }
0xac: {  	_ =	swait.ge [sflag:s30], $0x400  }
0xad: {  	[sflag:s30] =	ssyncset.done $0x0  }
0xae: {  	[sflag:s30] =	ssyncadd.s32 $0xFFFFFC00  }
0xaf: {  	_ =	swait.ge [sflag:s30], $0x400  }
0xb0: {  	[sflag:s30] =	ssyncset.done $0x0  }
0xb1: {  	[sflag:s30] =	ssyncadd.s32 $0xFFFFFC00  }
0xb2: {  	_ =	swait.ge [sflag:s30], $0x400  }
0xb3: {  	[sflag:s30] =	ssyncset.done $0x0  }
0xb4: {  	[sflag:s30] =	ssyncadd.s32 $0xFFFFFC00  }
0xb5: {  	_ =	swait.ge [sflag:s30], $0x400  }
0xb6: {  	[sflag:s30] =	ssyncset.done $0x0  }
0xb7: {  	[sflag:s30] =	ssyncadd.s32 $0xFFFFFC00  }
0xb8: {  	_ =	swait.ge [sflag:s30], $0x400  }
0xb9: {  	[sflag:s30] =	ssyncset.done $0x0  }
0xba: {  	[sflag:s30] =	ssyncadd.s32 $0xFFFFFC00  }
0xbb: {  	_ =	swait.ge [sflag:s30], $0x400  }
0xbc: {  	[sflag:s30] =	ssyncset.done $0x0  }
0xbd: {  	[sflag:s30] =	ssyncadd.s32 $0xFFFFFC00  }
0xbe: {  	_ =	swait.ge [sflag:s30], $0x400  }
0xbf: {  	[sflag:s30] =	ssyncset.done $0x0  }
0xc0: {  	[sflag:s30] =	ssyncadd.s32 $0xFFFFFC00  }
0xc1: {  	_ =	swait.ge [sflag:s30], $0x400  }
0xc2: {  	[sflag:s30] =	ssyncset.done $0x0  }
0xc3: {  	s31 =	simm.s32 $0x8;
	s23 =	rddreg [dreg:$0x8];
	[sflag:s30] =	ssyncadd.s32 $0xFFFFFC00  }
0xc4: {  	[hbm4b:s23+s31] =	stream.strided.scatter [tilespmem:s11], [sflag:$0x2], $0x1000, s9, s31, $0x38;
	[tilespmem:$0x6C00] =	vst v63  }
0xc5: {  	_ =	swait.ge [sflag:s3], $0x1000  }
0xc6: {  	[sflag:s3] =	ssyncset.done $0x0  }
0xc7: {  	s26 =	ssub.s32 $0x2, s1;
	s24 =	rddreg [dreg:$0x9];
	[sflag:s3] =	ssyncadd.s32 $0xFFFFF000  }
0xc8: {  	[hbm4b:s24+s31] =	stream.strided.scatter [tilespmem:s13], [sflag:$0x2], $0x1000, s9, s31, $0x38;
	[tilespmem:$0x6C00] =	vst v63  }
0xc9: {  	s29 =	sshrl.u32 s26, $0x1;
	_ =	swait.ge [sflag:s3], $0x1000  }
0xca: {  	s0 =	ssub.s32 s26, s29;
	[sflag:s3] =	ssyncset.done $0x0  }
0xcb: {  	s0 =	smax.u32 s0, $0x1;
	s25 =	rddreg [dreg:$0xa];
	[sflag:s3] =	ssyncadd.s32 $0xFFFFF000  }
0xcc: {  	[hbm4b:s25+s31] =	stream.strided.scatter [tilespmem:s4], [sflag:$0x2], $0x1000, s9, s31, $0x38;
	[tilespmem:$0x6C00] =	vst v63  }
0xcd: {  	p0 =	sne.s32 s0, $0x1;
	_ =	swait.ge [sflag:s3], $0x1000  }
.Ltmp0:
0xce: {  	[sflag:s3] =	ssyncset.done $0x0;
	(pc) =	sbr.rel @!p0 .LBB2_3-.Ltmp0, $4  }
0xcf: {  	s28 =	rddreg [dreg:$0xb];
	[sflag:s3] =	ssyncadd.s32 $0xFFFFF000  }
0xd0: {  	[hbm4b:s28+s31] =	stream.strided.scatter [tilespmem:s5], [sflag:$0x2], $0x1000, s9, s31, $0x38;
	[tilespmem:$0x6C00] =	vst v63  }
0xd1: {  	_ =	swait.ge [sflag:s3], $0x1000  }
0xd2: {  	s1 =	sadd.s32 $0xFFFFFFFF, s0;
	[sflag:s3] =	ssyncset.done $0x0;
	s0 =	rddreg [dreg:$0xc]  }
0xd3: {  	s11 =	simm.s32 $0x600  }
0xd4: {  	s13 =	simm.s32 $0x800;
	s15 =	simm.s32 $0xA00;
	s17 =	simm.s32 $0xC00  }
.LBB2_2:
0xd5: {  	[sflag:s3] =	ssyncadd.s32 $0xFFFFF000  }
0xd6: {  	[hbm4b:s0+s31] =	stream.strided.scatter [tilespmem:s18], [sflag:$0x2], $0x1000, s9, s31, $0x38;
	[tilespmem:$0x6C00] =	vst v63  }
0xd7: {  	_ =	swait.ge [sflag:s3], $0x1000  }
0xd8: {  	[sflag:s3] =	ssyncset.done $0x0  }
0xd9: {  	s25 =	rddreg [dreg:$0xd];
	[sflag:s3] =	ssyncadd.s32 $0xFFFFF000  }
0xda: {  	[hbm4b:s25+s31] =	stream.strided.scatter [tilespmem:s20], [sflag:$0x2], $0x1000, s9, s31, $0x38;
	[tilespmem:$0x6C00] =	vst v63  }
0xdb: {  	_ =	swait.ge [sflag:s3], $0x1000  }
0xdc: {  	[sflag:s3] =	ssyncset.done $0x0  }
0xdd: {  	s26 =	rddreg [dreg:$0x2];
	[sflag:s3] =	ssyncadd.s32 $0xFFFFF000  }
0xde: {  	[tilespmem:s2], [sflag:$0x2] =	stream.linear.gather [hbm4b:s26+s2], $0x200, $0x38;
	[tilespmem:$0x6C00] =	vst v63  }
0xdf: {  	_ =	swait.ge [sflag:s3], $0x200  }
0xe0: {  	[sflag:s3] =	ssyncset.done $0x0  }
0xe1: {  	s7 =	simm.s32 $0x200;
	s28 =	rddreg [dreg:$0x3];
	[sflag:s3] =	ssyncadd.s32 $0xFFFFFE00  }
0xe2: {  	[tilespmem:s7], [sflag:$0x2] =	stream.linear.gather [hbm4b:s28+s2], $0x200, $0x38;
	[tilespmem:$0x6C00] =	vst v63  }
0xe3: {  	_ =	swait.ge [sflag:s3], $0x200  }
0xe4: {  	[sflag:s3] =	ssyncset.done $0x0  }
0xe5: {  	s8 =	simm.s32 $0x400;
	s29 =	rddreg [dreg:$0x4];
	[sflag:s3] =	ssyncadd.s32 $0xFFFFFE00  }
0xe6: {  	[tilespmem:s8], [sflag:$0x2] =	stream.linear.gather [hbm4b:s29+s2], $0x200, $0x38;
	[tilespmem:$0x6C00] =	vst v63  }
0xe7: {  	_ =	swait.ge [sflag:s3], $0x200  }
0xe8: {  	[sflag:s3] =	ssyncset.done $0x0  }
0xe9: {  	s4 =	rddreg [dreg:$0x5];
	[sflag:s3] =	ssyncadd.s32 $0xFFFFFE00  }
0xea: {  	[tilespmem:s11], [sflag:$0x2] =	stream.linear.gather [hbm4b:s4+s2], $0x200, $0x38;
	[tilespmem:$0x6C00] =	vst v63  }
0xeb: {  	_ =	swait.ge [sflag:s3], $0x200  }
0xec: {  	[sflag:s3] =	ssyncset.done $0x0  }
0xed: {  	s5 =	rddreg [dreg:$0x6];
	[sflag:s3] =	ssyncadd.s32 $0xFFFFFE00  }
0xee: {  	[tilespmem:s13], [sflag:$0x2] =	stream.linear.gather [hbm4b:s5+s2], $0x200, $0x38;
	[tilespmem:$0x6C00] =	vst v63  }
0xef: {  	_ =	swait.ge [sflag:s3], $0x200  }
0xf0: {  	[sflag:s3] =	ssyncset.done $0x0  }
0xf1: {  	s6 =	rddreg [dreg:$0x7];
	[sflag:s3] =	ssyncadd.s32 $0xFFFFFE00  }
0xf2: {  	[tilespmem:s15], [sflag:$0x2] =	stream.linear.gather [hbm4b:s6+s2], $0x200, $0x38;
	[tilespmem:$0x6C00] =	vst v63  }
0xf3: {  	_ =	swait.ge [sflag:s3], $0x200  }
0xf4: {  	s0 =	sld [smem:$0x7F4]  }
0xf5: {  	s21 =	sld [smem:$0x7F5]  }
0xf6: {  	s23 =	rddreg [dreg:$0x1e]  }
0xf7: {  	s24 =	rddreg [dreg:$0x1c]  }
0xf8: {  	s25 =	rddreg [dreg:$0x18]  }
0xf9: {  	s26 =	rddreg [dreg:$0x16]  }
0xfa: {  	s28 =	rddreg [dreg:$0x14]  }
0xfb: {  	s29 =	rddreg [dreg:$0xf]  }
0xfc: {  	[sflag:s3] =	ssyncset.done $0x0;
	s4 =	rddreg [dreg:$0xe]  }
0xfd: {  	s5 =	rddreg [dreg:$0x10];
	[sflag:s3] =	ssyncadd.s32 $0xFFFFFE00  }
0xfe: {  	[tilespmem:s17], [sflag:$0x1] =	stream.indirect.gather [hbm4b:s10+s9], $0x8, s2, s9, $0xb8;
	[tilespmem:$0x6C00] =	vst v63  }
0xff: {  	s6 =	rddreg [dreg:$0x12]  }
0x100: {  	[tilespmem:s4], [sflag:$0x1] =	stream.indirect.gather [hbm4b:s10+s9], $0x8, s9, s9, $0xb8;
	[tilespmem:$0x6C00] =	vst v63  }
0x101: {  	s4 =	rddreg [dreg:$0x11]  }
0x102: {  	[tilespmem:s5], [sflag:$0x1] =	stream.indirect.gather [hbm4b:s10+s9], $0x8, s29, s9, $0xb8;
	[tilespmem:$0x6C00] =	vst v63  }
0x103: {  	s5 =	sld [smem:$0x7F6]  }
0x104: {  	[tilespmem:s6], [sflag:$0x1] =	stream.indirect.gather [hbm4b:s10+s9], $0x8, s4, s9, $0xb8;
	[tilespmem:$0x6C00] =	vst v63  }
0x105: {  	s29 =	simm.s32 $0x1C00;
	s4 =	rddreg [dreg:$0x13]  }
0x106: {  	[tilespmem:s29], [sflag:$0x1] =	stream.indirect.gather [hbm4b:s12+s9], $0x8, s7, s9, $0xb8;
	[tilespmem:$0x6C00] =	vst v63  }
0x107: {  	s6 =	rddreg [dreg:$0x15]  }
0x108: {  	[tilespmem:s28], [sflag:$0x1] =	stream.indirect.gather [hbm4b:s12+s9], $0x8, s4, s9, $0xb8;
	[tilespmem:$0x6C00] =	vst v63  }
0x109: {  	s7 =	rddreg [dreg:$0x17]  }
0x10a: {  	[tilespmem:s26], [sflag:$0x1] =	stream.indirect.gather [hbm4b:s12+s9], $0x8, s6, s9, $0xb8;
	[tilespmem:$0x6C00] =	vst v63  }
0x10b: {  	s28 =	rddreg [dreg:$0x1b]  }
0x10c: {  	[tilespmem:s25], [sflag:$0x1] =	stream.indirect.gather [hbm4b:s12+s9], $0x8, s7, s9, $0xb8;
	[tilespmem:$0x6C00] =	vst v63  }
0x10d: {  	s6 =	rddreg [dreg:$0x1a];
	s7 =	simm.s32 $0x2C00  }
0x10e: {  	[tilespmem:s7], [sflag:$0x1] =	stream.indirect.gather [hbm4b:s14+s9], $0x8, s8, s9, $0xb8;
	[tilespmem:$0x6C00] =	vst v63  }
0x10f: {  	s26 =	rddreg [dreg:$0x19]  }
0x110: {  	[tilespmem:s6], [sflag:$0x1] =	stream.indirect.gather [hbm4b:s14+s9], $0x8, s26, s9, $0xb8;
	[tilespmem:$0x6C00] =	vst v63  }
0x111: {  	s25 =	sld [smem:$0x7F7]  }
0x112: {  	[tilespmem:s24], [sflag:$0x1] =	stream.indirect.gather [hbm4b:s14+s9], $0x8, s28, s9, $0xb8;
	[tilespmem:$0x6C00] =	vst v63  }
0x113: {  	s8 =	rddreg [dreg:$0x1d]  }
0x114: {  	[tilespmem:s23], [sflag:$0x1] =	stream.indirect.gather [hbm4b:s14+s9], $0x8, s8, s9, $0xb8;
	[tilespmem:$0x6C00] =	vst v63  }
0x115: {  	s26 =	rddreg [dreg:$0x1f];
	s8 =	simm.s32 $0x3C00  }
0x116: {  	[tilespmem:s8], [sflag:$0x1] =	stream.indirect.gather [hbm4b:s16+s9], $0x8, s11, s9, $0xb8;
	[tilespmem:$0x6C00] =	vst v63  }
0x117: {  	s28 =	sld [smem:$0x7F8]  }
0x118: {  	[tilespmem:s25], [sflag:$0x1] =	stream.indirect.gather [hbm4b:s16+s9], $0x8, s26, s9, $0xb8;
	[tilespmem:$0x6C00] =	vst v63  }
0x119: {  	s6 =	sld [smem:$0x7F9]  }
0x11a: {  	[tilespmem:s21], [sflag:$0x1] =	stream.indirect.gather [hbm4b:s16+s9], $0x8, s28, s9, $0xb8;
	[tilespmem:$0x6C00] =	vst v63  }
0x11b: {  	s24 =	sld [smem:$0x7FB]  }
0x11c: {  	[tilespmem:s0], [sflag:$0x1] =	stream.indirect.gather [hbm4b:s16+s9], $0x8, s6, s9, $0xb8;
	[tilespmem:$0x6C00] =	vst v63  }
0x11d: {  	s23 =	sld [smem:$0x7FA]  }
0x11e: {  	[tilespmem:s18], [sflag:$0x1] =	stream.indirect.gather [hbm4b:s19+s9], $0x8, s13, s9, $0xb8;
	[tilespmem:$0x6C00] =	vst v63  }
0x11f: {  	s25 =	sld [smem:$0x7FC]  }
0x120: {  	[tilespmem:s23], [sflag:$0x1] =	stream.indirect.gather [hbm4b:s19+s9], $0x8, s24, s9, $0xb8;
	[tilespmem:$0x6C00] =	vst v63  }
0x121: {  	s26 =	sld [smem:$0x7FD]  }
0x122: {  	[tilespmem:s5], [sflag:$0x1] =	stream.indirect.gather [hbm4b:s19+s9], $0x8, s25, s9, $0xb8;
	[tilespmem:$0x6C00] =	vst v63  }
0x123: {  	s28 =	simm.s32 $0x5800  }
0x124: {  	[tilespmem:s28], [sflag:$0x1] =	stream.indirect.gather [hbm4b:s19+s9], $0x8, s26, s9, $0xb8;
	[tilespmem:$0x6C00] =	vst v63  }
0x125: {  	_ = 	snop  }
0x126: {  	[tilespmem:s20], [sflag:$0x1] =	stream.indirect.gather [hbm4b:s22+s9], $0x8, s15, s9, $0xb8;
	[tilespmem:$0x6C00] =	vst v63  }
0x127: {  	s4 =	simm.s32 $0xA80;
	s5 =	simm.s32 $0x6000  }
0x128: {  	[tilespmem:s5], [sflag:$0x1] =	stream.indirect.gather [hbm4b:s22+s9], $0x8, s4, s9, $0xb8;
	[tilespmem:$0x6C00] =	vst v63  }
0x129: {  	s21 =	simm.s32 $0x6400;
	s6 =	simm.s32 $0xB00  }
0x12a: {  	[tilespmem:s21], [sflag:$0x1] =	stream.indirect.gather [hbm4b:s22+s9], $0x8, s6, s9, $0xb8;
	[tilespmem:$0x6C00] =	vst v63  }
0x12b: {  	s23 =	simm.s32 $0xB80;
	s24 =	simm.s32 $0x6800  }
0x12c: {  	[tilespmem:s24], [sflag:$0x1] =	stream.indirect.gather [hbm4b:s22+s9], $0x8, s23, s9, $0xb8;
	[tilespmem:$0x6C00] =	vst v63  }
0x12d: {  	_ =	swait.ge [sflag:s30], $0x400  }
0x12e: {  	[sflag:s30] =	ssyncset.done $0x0  }
0x12f: {  	[sflag:s30] =	ssyncadd.s32 $0xFFFFFC00  }
0x130: {  	_ =	swait.ge [sflag:s30], $0x400  }
0x131: {  	[sflag:s30] =	ssyncset.done $0x0  }
0x132: {  	[sflag:s30] =	ssyncadd.s32 $0xFFFFFC00  }
0x133: {  	_ =	swait.ge [sflag:s30], $0x400  }
0x134: {  	[sflag:s30] =	ssyncset.done $0x0  }
0x135: {  	[sflag:s30] =	ssyncadd.s32 $0xFFFFFC00  }
0x136: {  	_ =	swait.ge [sflag:s30], $0x400  }
0x137: {  	[sflag:s30] =	ssyncset.done $0x0  }
0x138: {  	[sflag:s30] =	ssyncadd.s32 $0xFFFFFC00  }
0x139: {  	_ =	swait.ge [sflag:s30], $0x400  }
0x13a: {  	[sflag:s30] =	ssyncset.done $0x0  }
0x13b: {  	[sflag:s30] =	ssyncadd.s32 $0xFFFFFC00  }
0x13c: {  	_ =	swait.ge [sflag:s30], $0x400  }
0x13d: {  	[sflag:s30] =	ssyncset.done $0x0  }
0x13e: {  	[sflag:s30] =	ssyncadd.s32 $0xFFFFFC00  }
0x13f: {  	_ =	swait.ge [sflag:s30], $0x400  }
0x140: {  	[sflag:s30] =	ssyncset.done $0x0  }
0x141: {  	[sflag:s30] =	ssyncadd.s32 $0xFFFFFC00  }
0x142: {  	_ =	swait.ge [sflag:s30], $0x400  }
0x143: {  	[sflag:s30] =	ssyncset.done $0x0  }
0x144: {  	[sflag:s30] =	ssyncadd.s32 $0xFFFFFC00  }
0x145: {  	_ =	swait.ge [sflag:s30], $0x400  }
0x146: {  	[sflag:s30] =	ssyncset.done $0x0  }
0x147: {  	[sflag:s30] =	ssyncadd.s32 $0xFFFFFC00  }
0x148: {  	_ =	swait.ge [sflag:s30], $0x400  }
0x149: {  	[sflag:s30] =	ssyncset.done $0x0  }
0x14a: {  	[sflag:s30] =	ssyncadd.s32 $0xFFFFFC00  }
0x14b: {  	_ =	swait.ge [sflag:s30], $0x400  }
0x14c: {  	[sflag:s30] =	ssyncset.done $0x0  }
0x14d: {  	[sflag:s30] =	ssyncadd.s32 $0xFFFFFC00  }
0x14e: {  	_ =	swait.ge [sflag:s30], $0x400  }
0x14f: {  	[sflag:s30] =	ssyncset.done $0x0  }
0x150: {  	[sflag:s30] =	ssyncadd.s32 $0xFFFFFC00  }
0x151: {  	_ =	swait.ge [sflag:s30], $0x400  }
0x152: {  	[sflag:s30] =	ssyncset.done $0x0  }
0x153: {  	[sflag:s30] =	ssyncadd.s32 $0xFFFFFC00  }
0x154: {  	_ =	swait.ge [sflag:s30], $0x400  }
0x155: {  	[sflag:s30] =	ssyncset.done $0x0  }
0x156: {  	[sflag:s30] =	ssyncadd.s32 $0xFFFFFC00  }
0x157: {  	_ =	swait.ge [sflag:s30], $0x400  }
0x158: {  	[sflag:s30] =	ssyncset.done $0x0  }
0x159: {  	[sflag:s30] =	ssyncadd.s32 $0xFFFFFC00  }
0x15a: {  	_ =	swait.ge [sflag:s30], $0x400  }
0x15b: {  	[sflag:s30] =	ssyncset.done $0x0  }
0x15c: {  	[sflag:s30] =	ssyncadd.s32 $0xFFFFFC00  }
0x15d: {  	_ =	swait.ge [sflag:s30], $0x400  }
0x15e: {  	[sflag:s30] =	ssyncset.done $0x0  }
0x15f: {  	[sflag:s30] =	ssyncadd.s32 $0xFFFFFC00  }
0x160: {  	_ =	swait.ge [sflag:s30], $0x400  }
0x161: {  	[sflag:s30] =	ssyncset.done $0x0  }
0x162: {  	[sflag:s30] =	ssyncadd.s32 $0xFFFFFC00  }
0x163: {  	_ =	swait.ge [sflag:s30], $0x400  }
0x164: {  	[sflag:s30] =	ssyncset.done $0x0  }
0x165: {  	[sflag:s30] =	ssyncadd.s32 $0xFFFFFC00  }
0x166: {  	_ =	swait.ge [sflag:s30], $0x400  }
0x167: {  	[sflag:s30] =	ssyncset.done $0x0  }
0x168: {  	[sflag:s30] =	ssyncadd.s32 $0xFFFFFC00  }
0x169: {  	_ =	swait.ge [sflag:s30], $0x400  }
0x16a: {  	[sflag:s30] =	ssyncset.done $0x0  }
0x16b: {  	[sflag:s30] =	ssyncadd.s32 $0xFFFFFC00  }
0x16c: {  	_ =	swait.ge [sflag:s30], $0x400  }
0x16d: {  	[sflag:s30] =	ssyncset.done $0x0  }
0x16e: {  	[sflag:s30] =	ssyncadd.s32 $0xFFFFFC00  }
0x16f: {  	_ =	swait.ge [sflag:s30], $0x400  }
0x170: {  	[sflag:s30] =	ssyncset.done $0x0  }
0x171: {  	[sflag:s30] =	ssyncadd.s32 $0xFFFFFC00  }
0x172: {  	_ =	swait.ge [sflag:s30], $0x400  }
0x173: {  	[sflag:s30] =	ssyncset.done $0x0  }
0x174: {  	s25 =	rddreg [dreg:$0x8];
	[sflag:s30] =	ssyncadd.s32 $0xFFFFFC00  }
0x175: {  	[hbm4b:s25+s31] =	stream.strided.scatter [tilespmem:s17], [sflag:$0x2], $0x1000, s9, s31, $0x38;
	[tilespmem:$0x6C00] =	vst v63  }
0x176: {  	_ =	swait.ge [sflag:s3], $0x1000  }
0x177: {  	[sflag:s3] =	ssyncset.done $0x0  }
0x178: {  	s26 =	rddreg [dreg:$0x9];
	[sflag:s3] =	ssyncadd.s32 $0xFFFFF000  }
0x179: {  	[hbm4b:s26+s31] =	stream.strided.scatter [tilespmem:s29], [sflag:$0x2], $0x1000, s9, s31, $0x38;
	[tilespmem:$0x6C00] =	vst v63  }
0x17a: {  	_ =	swait.ge [sflag:s3], $0x1000  }
0x17b: {  	[sflag:s3] =	ssyncset.done $0x0  }
0x17c: {  	s28 =	rddreg [dreg:$0xa];
	[sflag:s3] =	ssyncadd.s32 $0xFFFFF000  }
0x17d: {  	[hbm4b:s28+s31] =	stream.strided.scatter [tilespmem:s7], [sflag:$0x2], $0x1000, s9, s31, $0x38;
	[tilespmem:$0x6C00] =	vst v63  }
0x17e: {  	p0 =	sne.s32 s1, $0x1;
	_ =	swait.ge [sflag:s3], $0x1000  }
.Ltmp1:
0x17f: {  	[sflag:s3] =	ssyncset.done $0x0;
	(pc) =	sbr.rel @p0 .LBB2_2-.Ltmp1, $4  }
0x180: {  	s29 =	rddreg [dreg:$0xb];
	[sflag:s3] =	ssyncadd.s32 $0xFFFFF000  }
0x181: {  	[hbm4b:s29+s31] =	stream.strided.scatter [tilespmem:s8], [sflag:$0x2], $0x1000, s9, s31, $0x38;
	[tilespmem:$0x6C00] =	vst v63  }
0x182: {  	_ =	swait.ge [sflag:s3], $0x1000  }
0x183: {  	s1 =	sadd.s32 $0xFFFFFFFF, s1;
	[sflag:s3] =	ssyncset.done $0x0;
	s0 =	rddreg [dreg:$0xc]  }
.LBB2_3:
0x184: {  	[sflag:s3] =	ssyncadd.s32 $0xFFFFF000  }
0x185: {  	[hbm4b:s0+s31] =	stream.strided.scatter [tilespmem:s18], [sflag:$0x2], $0x1000, s9, s31, $0x38;
	[tilespmem:$0x6C00] =	vst v63  }
0x186: {  	_ =	swait.ge [sflag:s3], $0x1000  }
0x187: {  	[sflag:s3] =	ssyncset.done $0x0  }
0x188: {  	s30 =	rddreg [dreg:$0xd];
	[sflag:s3] =	ssyncadd.s32 $0xFFFFF000  }
0x189: {  	[hbm4b:s30+s31] =	stream.strided.scatter [tilespmem:s20], [sflag:$0x2], $0x1000, s9, s31, $0x38;
	[tilespmem:$0x6C00] =	vst v63  }
0x18a: {  	_ =	swait.ge [sflag:s3], $0x1000  }
0x18b: {  	[sflag:s3] =	ssyncset.done $0x0  }
0x18c: {  	[sflag:s3] =	ssyncadd.s32 $0xFFFFF000  }
0x18d: {  	_ =	sfence.sel $0x180000  }
0x18e: {  	[bflag:$0x0] =	sbarrier.arrive $0xFFFF  }
0x18f: {  	_ =	strace $0x90000047  }
0x190: {  	s31 =	stileid.u32;
	[bflag:$0x2] =	sbarrier.arrive $0xFFFF  }
0x191: {  	p0 =	sne.s32 s31, $0x0;
	s0 =	rddreg [dreg:$0x1]  }
0x192: {  	s0 =	sadd.s32 @!p0 $0x100000, s0  }
0x193: {  	[sflag:s0] =	ssyncadd.tile.s32 @!p0 $0x1;
	_ =	shalt  }
.Lfunc_end2:
_tile_overlayer_lowered:
.L_overlay_start_2:
0x194: {  	(tag) =	ssettag $0x2  }
0x195: {  	s0 =	rddreg [dreg:$0x0];
	s2 =	stileid.u32  }
0x196: {  	s1 =	rddreg [dreg:$0x1];
	p0 =	sne.s32 s2, $0x0  }
0x197: {  	s3 =	rddreg [dreg:$0x2];
	[bflag:$0x3] =	sbarrier.arrive $0xFFFF;
	s2 =	simm.s32 @!p0 $0x1C02  }
0x198: {  	[timem:s3], [sflag:s2] =	dma.local @!p0 [hbm:s0], s1  }
0x199: {  	s0 =	simm.s32 @!p0 $0x2  }
0x19a: {  	_ =	swait.ge @!p0 [sflag:s0], s1  }
0x19b: {  	s1 =	ssub.s32 @!p0 $0x0, s1;
	[sflag:s0] =	ssyncset.done @!p0 $0x0  }
0x19c: {  	[sflag:s0] =	ssyncadd.s32 @!p0 s1  }
0x19d: {  	[bflag:$0x3] =	sbarrier.arrive $0xFFFF  }
0x19e: {  	_ =	shalt  }

</sc_bundles>
